<compile_context>
chip_gen: v7x
topology: tpu7x:2x2x1
jax: 0.10.2.dev20260603
libtpu: 0.0.44.dev20260713+nightly
codegen_flags: <defaults>
</compile_context>

<pallas_src>
import functools

import jax
import jax.numpy as jnp
from jax import lax
from jax.experimental import pallas as pl
from jax.experimental.pallas import tpu as pltpu
from jax.experimental.pallas import tpu_sc as plsc

B = 128
V = 100000
RB = 32
NR = B // RB
RPW = 4


def _sc_gather_kernel(pred_hbm, tgt_hbm, out_hbm, tout_hbm, tgt_v, blk_v,
                      val_v, tval_v, sem):
    core = lax.axis_index("c")
    sub = lax.axis_index("s")
    wid = sub * 2 + core
    lanes = lax.iota(jnp.int32, 16)

    tbase = pl.multiple_of((wid // 4) * 16, 8)
    pltpu.sync_copy(tgt_hbm.at[pl.ds(tbase, 16)], tgt_v)
    t = tgt_v[...]

    rb = pl.multiple_of((wid // 2) * 8, 8)
    copies = []
    tj = []
    for j in range(RPW):
        lane = (wid % 4) * 4 + j
        t_j = jnp.sum(t * (lanes == lane).astype(jnp.int32))
        tj.append(t_j)
        cb = pl.multiple_of(jnp.bitwise_and(t_j, -128), 128)
        copies.append(pltpu.async_copy(
            pred_hbm.at[pl.ds(rb, 8), pl.ds(cb, 128)], blk_v.at[j], sem))
    for c in copies:
        c.wait()
    for j in range(RPW):
        rit = (wid % 2) * 4 + j
        off = jnp.bitwise_and(tj[j], 127)
        x16 = blk_v[j, rit, pl.ds(jnp.bitwise_and(off, -16), 16)]
        sel = (lanes == jnp.bitwise_and(off, 15)).astype(jnp.float32)
        v_j = jnp.sum(x16 * sel)
        val_v[j, :] = jnp.full((16,), v_j, dtype=jnp.float32)
        tval_v[j, :] = jnp.full((16,), tj[j], dtype=jnp.int32)
    pltpu.sync_copy(val_v, out_hbm.at[pl.ds(wid * RPW, RPW)])
    pltpu.sync_copy(tval_v, tout_hbm.at[pl.ds(wid * RPW, RPW)])


def _sc_gather(predicted, targets):
    mesh = plsc.VectorSubcoreMesh(core_axis_name="c", subcore_axis_name="s")
    kfn = functools.partial(
        pl.kernel,
        mesh=mesh,
        compiler_params=pltpu.CompilerParams(needs_layout_passes=False),
        out_type=(jax.ShapeDtypeStruct((B, 16), jnp.float32),
                  jax.ShapeDtypeStruct((B, 16), jnp.int32)),
        scratch_types=[
            pltpu.VMEM((16,), jnp.int32),
            pltpu.VMEM((RPW, 8, 128), jnp.float32),
            pltpu.VMEM((RPW, 16), jnp.float32),
            pltpu.VMEM((RPW, 16), jnp.int32),
            pltpu.SemaphoreType.DMA,
        ],
    )(_sc_gather_kernel)
    return kfn(predicted, targets)


def _tc_count_kernel(pred_ref, tgt_ref, v_ref, out_ref, acc_ref):
    c = pl.program_id(0)
    x = pred_ref[...]
    v = v_ref[:, 0:1]
    t = tgt_ref[:, 0:1]
    col = lax.broadcasted_iota(jnp.int32, (RB, V), 1)
    beats = (x > v) | ((x == v) & (col < t))
    cnt = jnp.sum(beats.astype(jnp.float32), axis=1, keepdims=True)
    acc_ref[pl.ds(c * RB, RB), :] = cnt

    @pl.when(c == NR - 1)
    def _fini():
        miss = (acc_ref[...] >= 29.5).astype(jnp.float32)
        total = jnp.sum(miss, axis=0, keepdims=True) * (1.0 / B)
        out_ref[0] = total[0, 0]


def _tc_count(predicted, targets2d, v2d):
    return pl.pallas_call(
        _tc_count_kernel,
        grid=(NR,),
        in_specs=[
            pl.BlockSpec((RB, V), lambda c: (c, 0)),
            pl.BlockSpec((RB, 16), lambda c: (c, 0)),
            pl.BlockSpec((RB, 16), lambda c: (c, 0)),
        ],
        out_specs=pl.BlockSpec(memory_space=pltpu.SMEM),
        out_shape=jax.ShapeDtypeStruct((1,), jnp.float32),
        scratch_shapes=[pltpu.VMEM((B, 1), jnp.float32)],
    )(predicted, targets2d, v2d)


def kernel(predicted, targets):
    v2d, t2d = _sc_gather(predicted, targets)
    out = _tc_count(predicted, t2d, v2d)
    return out[0]

# --- scband reference (transcript-rebuilt; emitter-appended) ---
"""Pipeline reference for scband-top30-loss-34239479284224 (READ-ONLY COPY).

The authoritative reference and input builder live on the scoring server;
editing this copy changes nothing except your own understanding.
"""

import jax, jax.numpy as jnp
import numpy as np


def setup_inputs(seed: int = 0) -> dict:
    key = jax.random.key(seed)
    k1, k2 = jax.random.split(key)
    predicted = jax.random.normal(k1, (128, 100000), dtype=jnp.float32)
    targets = jax.random.randint(k2, (128,), 0, 100000, dtype=jnp.int32)
    return {"predicted": predicted, "targets": targets}


def reference(predicted, targets):
    # utils.get_top_30: indices of the top-30 logits per row
    _, top30_idx = jax.lax.top_k(predicted, 30)  # [B, 30]
    # accuracy[i] = targets[i] in top30_idx[i]
    hit = jnp.any(top30_idx == targets[:, None], axis=1)  # [B] bool
    # accuracy.count(False) / B  -> fraction of rows where target NOT in top-30
    miss_rate = jnp.sum(jnp.logical_not(hit).astype(jnp.float32)) / targets.shape[0]
    return miss_rate

if __name__ == "__main__":
    import jax
    _d = setup_inputs()
    print(jax.jit(kernel)(*tuple(_d.values())))

</pallas_src>

<mosaic_0001>
#map = affine_map<(d0, d1) -> (0, 0)>
#map1 = affine_map<(d0, d1) -> (0)>
module attributes {stable_mosaic.version = 14 : i64} {
  func.func @_sc_gather_kernel(%arg0: i32, %arg1: i32, %arg2: memref<128x100000xf32, #tpu.memory_space<hbm>>, %arg3: memref<128xi32, #tpu.memory_space<hbm>>, %arg4: memref<128x16xf32, #tpu.memory_space<hbm>>, %arg5: memref<128x16xi32, #tpu.memory_space<hbm>>, %arg6: memref<16xi32, #tpu.memory_space<vmem>>, %arg7: memref<4x8x128xf32, #tpu.memory_space<vmem>>, %arg8: memref<4x16xf32, #tpu.memory_space<vmem>>, %arg9: memref<4x16xi32, #tpu.memory_space<vmem>>, %arg10: memref<!tpu.dma_semaphore, #tpu.memory_space<semaphore_mem>>) attributes {dimension_semantics = [#tpu.dimension_semantics<core_parallel>, #tpu.dimension_semantics<subcore_parallel>], iteration_bounds = array<i64: 2, 16>, scalar_prefetch = 0 : i64, scratch_operands = 5 : i64, tpu.core_type = #tpu.core_type<sc_vector_subcore>, window_params = [{transform_indices = #map}, {transform_indices = #map1}, {transform_indices = #map}, {transform_indices = #map}]} {
    %mul3A = arith.constant 2 : i32
    %mul3A_0 = arith.muli %arg1, %mul3A : i32
    %add3A = arith.addi %mul3A_0, %arg0 : i32
    %iota3A = tpu.iota {dimensions = array<i32: 0>} : vector<16xi32>
    %jit3A = arith.constant 4 : i32
    %div3A = arith.divsi %add3A, %jit3A : i32
    %sign3A = arith.constant 0 : i32
    %sign3A_1 = arith.cmpi sgt, %add3A, %sign3A : i32
    %sign3A_2 = arith.extui %sign3A_1 : i1 to i32
    %sign3A_3 = arith.constant 0 : i32
    %sign3A_4 = arith.cmpi slt, %add3A, %sign3A_3 : i32
    %sign3A_5 = arith.extui %sign3A_4 : i1 to i32
    %sign3A_6 = arith.subi %sign3A_2, %sign3A_5 : i32
    %sign3A_7 = arith.constant 0 : i32
    %sign3A_8 = arith.cmpi sgt, %jit3A, %sign3A_7 : i32
    %sign3A_9 = arith.extui %sign3A_8 : i1 to i32
    %sign3A_10 = arith.constant 0 : i32
    %sign3A_11 = arith.cmpi slt, %jit3A, %sign3A_10 : i32
    %sign3A_12 = arith.extui %sign3A_11 : i1 to i32
    %sign3A_13 = arith.subi %sign3A_9, %sign3A_12 : i32
    %ne3A = arith.cmpi ne, %sign3A_6, %sign3A_13 : i32
    %rem3A = arith.remsi %add3A, %jit3A : i32
    %ne3A_14 = arith.constant 0 : i32
    %ne3A_15 = arith.cmpi ne, %rem3A, %ne3A_14 : i32
    %and3A = arith.andi %ne3A, %ne3A_15 : i1
    %sub3A = arith.constant 1 : i32
    %sub3A_16 = arith.subi %div3A, %sub3A : i32
    %select_n3A = arith.select %and3A, %sub3A_16, %div3A : i32
    %mul3A_17 = arith.constant 16 : i32
    %mul3A_18 = arith.muli %select_n3A, %mul3A_17 : i32
    %multiple_of3A = tpu.assume_multiple %mul3A_18, 8 : i32
    "tpu.region"() ({
      %run_scoped3A = tpu.sem_alloc : memref<!tpu.dma_semaphore, #tpu.memory_space<semaphore_mem>>
      %dma_start3A_455 = tpu.memref_slice %arg3[%multiple_of3A] : memref<128xi32, #tpu.memory_space<hbm>> -> memref<16xi32, #tpu.memory_space<hbm>>
      %dma_start3A_456 = tpu.memref_slice %arg3[%multiple_of3A] : memref<128xi32, #tpu.memory_space<hbm>> -> memref<16xi32, #tpu.memory_space<hbm>>
      tpu.enqueue_dma source(%dma_start3A_456 : memref<16xi32, #tpu.memory_space<hbm>>) target(%arg6 : memref<16xi32, #tpu.memory_space<vmem>>) target_semaphore(%run_scoped3A : memref<!tpu.dma_semaphore, #tpu.memory_space<semaphore_mem>>)
      %dma_wait3A_457 = tpu.memref_slice %arg3[%multiple_of3A] : memref<128xi32, #tpu.memory_space<hbm>> -> memref<16xi32, #tpu.memory_space<hbm>>
      %dma_wait3A_458 = tpu.memref_slice %arg3[%multiple_of3A] : memref<128xi32, #tpu.memory_space<hbm>> -> memref<16xi32, #tpu.memory_space<hbm>>
      tpu.wait_dma2 semaphore(%run_scoped3A : memref<!tpu.dma_semaphore, #tpu.memory_space<semaphore_mem>>) src(%dma_wait3A_458 : memref<16xi32, #tpu.memory_space<hbm>>) dst(%arg6 : memref<16xi32, #tpu.memory_space<vmem>>)
      tpu.yield
    }) : () -> ()
    %get3A = arith.constant 0 : index
    %get3A_19 = tpu.vector_load %arg6[%get3A] {strides = array<i32>} : memref<16xi32, #tpu.memory_space<vmem>>, vector<16xi32>,
    %jit3A_20 = arith.constant 2 : i32
    %div3A_21 = arith.divsi %add3A, %jit3A_20 : i32
    %sign3A_22 = arith.constant 0 : i32
    %sign3A_23 = arith.cmpi sgt, %add3A, %sign3A_22 : i32
    %sign3A_24 = arith.extui %sign3A_23 : i1 to i32
    %sign3A_25 = arith.constant 0 : i32
    %sign3A_26 = arith.cmpi slt, %add3A, %sign3A_25 : i32
    %sign3A_27 = arith.extui %sign3A_26 : i1 to i32
    %sign3A_28 = arith.subi %sign3A_24, %sign3A_27 : i32
    %sign3A_29 = arith.constant 0 : i32
    %sign3A_30 = arith.cmpi sgt, %jit3A_20, %sign3A_29 : i32
    %sign3A_31 = arith.extui %sign3A_30 : i1 to i32
    %sign3A_32 = arith.constant 0 : i32
    %sign3A_33 = arith.cmpi slt, %jit3A_20, %sign3A_32 : i32
    %sign3A_34 = arith.extui %sign3A_33 : i1 to i32
    %sign3A_35 = arith.subi %sign3A_31, %sign3A_34 : i32
    %ne3A_36 = arith.cmpi ne, %sign3A_28, %sign3A_35 : i32
    %rem3A_37 = arith.remsi %add3A, %jit3A_20 : i32
    %ne3A_38 = arith.constant 0 : i32
    %ne3A_39 = arith.cmpi ne, %rem3A_37, %ne3A_38 : i32
    %and3A_40 = arith.andi %ne3A_36, %ne3A_39 : i1
    %sub3A_41 = arith.constant 1 : i32
    %sub3A_42 = arith.subi %div3A_21, %sub3A_41 : i32
    %select_n3A_43 = arith.select %and3A_40, %sub3A_42, %div3A_21 : i32
    %mul3A_44 = arith.constant 8 : i32
    %mul3A_45 = arith.muli %select_n3A_43, %mul3A_44 : i32
    %multiple_of3A_46 = tpu.assume_multiple %mul3A_45, 8 : i32
    %jit3A_47 = arith.constant 4 : i32
    %eq3A = arith.constant 0 : i32
    %eq3A_48 = arith.cmpi eq, %jit3A_47, %eq3A : i32
    %jit3A_49 = arith.constant 1 : i32
    %select_n3A_50 = arith.select %eq3A_48, %jit3A_49, %jit3A_47 : i32
    %rem3A_51 = arith.remsi %add3A, %select_n3A_50 : i32
    %ne3A_52 = arith.constant 0 : i32
    %ne3A_53 = arith.cmpi ne, %rem3A_51, %ne3A_52 : i32
    %lt3A = arith.constant 0 : i32
    %lt3A_54 = arith.cmpi slt, %rem3A_51, %lt3A : i32
    %lt3A_55 = arith.constant 0 : i32
    %lt3A_56 = arith.cmpi slt, %select_n3A_50, %lt3A_55 : i32
    %ne3A_57 = arith.xori %lt3A_54, %lt3A_56 : i1
    %and3A_58 = arith.andi %ne3A_57, %ne3A_53 : i1
    %add3A_59 = arith.addi %rem3A_51, %select_n3A_50 : i32
    %select_n3A_60 = arith.select %and3A_58, %add3A_59, %rem3A_51 : i32
    %mul3A_61 = arith.constant 4 : i32
    %mul3A_62 = arith.muli %select_n3A_60, %mul3A_61 : i32
    %add3A_63 = arith.constant 0 : i32
    %add3A_64 = arith.addi %mul3A_62, %add3A_63 : i32
    %eq3A_65 = vector.broadcast %add3A_64 : i32 to vector<16xi32>
    %eq3A_66 = arith.cmpi eq, %iota3A, %eq3A_65 : vector<16xi32>
    %convert_element_type3A = arith.extui %eq3A_66 : vector<16xi1> to vector<16xi32>
    %mul3A_67 = arith.muli %get3A_19, %convert_element_type3A : vector<16xi32>
    %reduce_sum3A = arith.constant true
    %reduce_sum3A_68 = vector.broadcast %reduce_sum3A : i1 to vector<16xi1>
    %reduce_sum3A_69 = tpu.scan <sum>, %mul3A_67 masked %reduce_sum3A_68 : vector<16xi32>, vector<16xi1> -> vector<16xi32>
    %reduce_sum3A_70 = vector.extract %reduce_sum3A_69[15] : i32 from vector<16xi32>
    %and3A_71 = arith.constant -128 : i32
    %and3A_72 = arith.andi %reduce_sum3A_70, %and3A_71 : i32
    %multiple_of3A_73 = tpu.assume_multiple %and3A_72, 128 : i32
    %dma_start3A = arith.constant 0 : i32
    %dma_start3A_74 = arith.constant 0 : i32
    %dma_start3A_75 = arith.constant 0 : i32
    %dma_start3A_76 = tpu.memref_slice %arg7[%dma_start3A, %dma_start3A_74, %dma_start3A_75] : memref<4x8x128xf32, #tpu.memory_space<vmem>> -> memref<1x8x128xf32, #tpu.memory_space<vmem>>
    %dma_start3A_77 = tpu.memref_squeeze %dma_start3A_76 : memref<1x8x128xf32, #tpu.memory_space<vmem>> -> memref<8x128xf32, #tpu.memory_space<vmem>>
    %dma_start3A_78 = tpu.memref_slice %arg2[%multiple_of3A_46, %multiple_of3A_73] : memref<128x100000xf32, #tpu.memory_space<hbm>> -> memref<8x128xf32, #tpu.memory_space<hbm>>
    %dma_start3A_79 = arith.constant 0 : i32
    %dma_start3A_80 = arith.constant 0 : i32
    %dma_start3A_81 = tpu.memref_slice %arg7[%dma_start3A, %dma_start3A_79, %dma_start3A_80] : memref<4x8x128xf32, #tpu.memory_space<vmem>> -> memref<1x8x128xf32, #tpu.memory_space<vmem>>
    %dma_start3A_82 = tpu.memref_squeeze %dma_start3A_81 : memref<1x8x128xf32, #tpu.memory_space<vmem>> -> memref<8x128xf32, #tpu.memory_space<vmem>>
    %dma_start3A_83 = tpu.memref_slice %arg2[%multiple_of3A_46, %multiple_of3A_73] : memref<128x100000xf32, #tpu.memory_space<hbm>> -> memref<8x128xf32, #tpu.memory_space<hbm>>
    tpu.enqueue_dma source(%dma_start3A_83 : memref<8x128xf32, #tpu.memory_space<hbm>>) target(%dma_start3A_82 : memref<8x128xf32, #tpu.memory_space<vmem>>) target_semaphore(%arg10 : memref<!tpu.dma_semaphore, #tpu.memory_space<semaphore_mem>>)
    %jit3A_84 = arith.constant 4 : i32
    %eq3A_85 = arith.constant 0 : i32
    %eq3A_86 = arith.cmpi eq, %jit3A_84, %eq3A_85 : i32
    %jit3A_87 = arith.constant 1 : i32
    %select_n3A_88 = arith.select %eq3A_86, %jit3A_87, %jit3A_84 : i32
    %rem3A_89 = arith.remsi %add3A, %select_n3A_88 : i32
    %ne3A_90 = arith.constant 0 : i32
    %ne3A_91 = arith.cmpi ne, %rem3A_89, %ne3A_90 : i32
    %lt3A_92 = arith.constant 0 : i32
    %lt3A_93 = arith.cmpi slt, %rem3A_89, %lt3A_92 : i32
    %lt3A_94 = arith.constant 0 : i32
    %lt3A_95 = arith.cmpi slt, %select_n3A_88, %lt3A_94 : i32
    %ne3A_96 = arith.xori %lt3A_93, %lt3A_95 : i1
    %and3A_97 = arith.andi %ne3A_96, %ne3A_91 : i1
    %add3A_98 = arith.addi %rem3A_89, %select_n3A_88 : i32
    %select_n3A_99 = arith.select %and3A_97, %add3A_98, %rem3A_89 : i32
    %mul3A_100 = arith.constant 4 : i32
    %mul3A_101 = arith.muli %select_n3A_99, %mul3A_100 : i32
    %add3A_102 = arith.constant 1 : i32
    %add3A_103 = arith.addi %mul3A_101, %add3A_102 : i32
    %eq3A_104 = vector.broadcast %add3A_103 : i32 to vector<16xi32>
    %eq3A_105 = arith.cmpi eq, %iota3A, %eq3A_104 : vector<16xi32>
    %convert_element_type3A_106 = arith.extui %eq3A_105 : vector<16xi1> to vector<16xi32>
    %mul3A_107 = arith.muli %get3A_19, %convert_element_type3A_106 : vector<16xi32>
    %reduce_sum3A_108 = arith.constant true
    %reduce_sum3A_109 = vector.broadcast %reduce_sum3A_108 : i1 to vector<16xi1>
    %reduce_sum3A_110 = tpu.scan <sum>, %mul3A_107 masked %reduce_sum3A_109 : vector<16xi32>, vector<16xi1> -> vector<16xi32>
    %reduce_sum3A_111 = vector.extract %reduce_sum3A_110[15] : i32 from vector<16xi32>
    %and3A_112 = arith.constant -128 : i32
    %and3A_113 = arith.andi %reduce_sum3A_111, %and3A_112 : i32
    %multiple_of3A_114 = tpu.assume_multiple %and3A_113, 128 : i32
    %dma_start3A_115 = arith.constant 1 : i32
    %dma_start3A_116 = arith.constant 0 : i32
    %dma_start3A_117 = arith.constant 0 : i32
    %dma_start3A_118 = tpu.memref_slice %arg7[%dma_start3A_115, %dma_start3A_116, %dma_start3A_117] : memref<4x8x128xf32, #tpu.memory_space<vmem>> -> memref<1x8x128xf32, #tpu.memory_space<vmem>>
    %dma_start3A_119 = tpu.memref_squeeze %dma_start3A_118 : memref<1x8x128xf32, #tpu.memory_space<vmem>> -> memref<8x128xf32, #tpu.memory_space<vmem>>
    %dma_start3A_120 = tpu.memref_slice %arg2[%multiple_of3A_46, %multiple_of3A_114] : memref<128x100000xf32, #tpu.memory_space<hbm>> -> memref<8x128xf32, #tpu.memory_space<hbm>>
    %dma_start3A_121 = arith.constant 0 : i32
    %dma_start3A_122 = arith.constant 0 : i32
    %dma_start3A_123 = tpu.memref_slice %arg7[%dma_start3A_115, %dma_start3A_121, %dma_start3A_122] : memref<4x8x128xf32, #tpu.memory_space<vmem>> -> memref<1x8x128xf32, #tpu.memory_space<vmem>>
    %dma_start3A_124 = tpu.memref_squeeze %dma_start3A_123 : memref<1x8x128xf32, #tpu.memory_space<vmem>> -> memref<8x128xf32, #tpu.memory_space<vmem>>
    %dma_start3A_125 = tpu.memref_slice %arg2[%multiple_of3A_46, %multiple_of3A_114] : memref<128x100000xf32, #tpu.memory_space<hbm>> -> memref<8x128xf32, #tpu.memory_space<hbm>>
    tpu.enqueue_dma source(%dma_start3A_125 : memref<8x128xf32, #tpu.memory_space<hbm>>) target(%dma_start3A_124 : memref<8x128xf32, #tpu.memory_space<vmem>>) target_semaphore(%arg10 : memref<!tpu.dma_semaphore, #tpu.memory_space<semaphore_mem>>)
    %jit3A_126 = arith.constant 4 : i32
    %eq3A_127 = arith.constant 0 : i32
    %eq3A_128 = arith.cmpi eq, %jit3A_126, %eq3A_127 : i32
    %jit3A_129 = arith.constant 1 : i32
    %select_n3A_130 = arith.select %eq3A_128, %jit3A_129, %jit3A_126 : i32
    %rem3A_131 = arith.remsi %add3A, %select_n3A_130 : i32
    %ne3A_132 = arith.constant 0 : i32
    %ne3A_133 = arith.cmpi ne, %rem3A_131, %ne3A_132 : i32
    %lt3A_134 = arith.constant 0 : i32
    %lt3A_135 = arith.cmpi slt, %rem3A_131, %lt3A_134 : i32
    %lt3A_136 = arith.constant 0 : i32
    %lt3A_137 = arith.cmpi slt, %select_n3A_130, %lt3A_136 : i32
    %ne3A_138 = arith.xori %lt3A_135, %lt3A_137 : i1
    %and3A_139 = arith.andi %ne3A_138, %ne3A_133 : i1
    %add3A_140 = arith.addi %rem3A_131, %select_n3A_130 : i32
    %select_n3A_141 = arith.select %and3A_139, %add3A_140, %rem3A_131 : i32
    %mul3A_142 = arith.constant 4 : i32
    %mul3A_143 = arith.muli %select_n3A_141, %mul3A_142 : i32
    %add3A_144 = arith.constant 2 : i32
    %add3A_145 = arith.addi %mul3A_143, %add3A_144 : i32
    %eq3A_146 = vector.broadcast %add3A_145 : i32 to vector<16xi32>
    %eq3A_147 = arith.cmpi eq, %iota3A, %eq3A_146 : vector<16xi32>
    %convert_element_type3A_148 = arith.extui %eq3A_147 : vector<16xi1> to vector<16xi32>
    %mul3A_149 = arith.muli %get3A_19, %convert_element_type3A_148 : vector<16xi32>
    %reduce_sum3A_150 = arith.constant true
    %reduce_sum3A_151 = vector.broadcast %reduce_sum3A_150 : i1 to vector<16xi1>
    %reduce_sum3A_152 = tpu.scan <sum>, %mul3A_149 masked %reduce_sum3A_151 : vector<16xi32>, vector<16xi1> -> vector<16xi32>
    %reduce_sum3A_153 = vector.extract %reduce_sum3A_152[15] : i32 from vector<16xi32>
    %and3A_154 = arith.constant -128 : i32
    %and3A_155 = arith.andi %reduce_sum3A_153, %and3A_154 : i32
    %multiple_of3A_156 = tpu.assume_multiple %and3A_155, 128 : i32
    %dma_start3A_157 = arith.constant 2 : i32
    %dma_start3A_158 = arith.constant 0 : i32
    %dma_start3A_159 = arith.constant 0 : i32
    %dma_start3A_160 = tpu.memref_slice %arg7[%dma_start3A_157, %dma_start3A_158, %dma_start3A_159] : memref<4x8x128xf32, #tpu.memory_space<vmem>> -> memref<1x8x128xf32, #tpu.memory_space<vmem>>
    %dma_start3A_161 = tpu.memref_squeeze %dma_start3A_160 : memref<1x8x128xf32, #tpu.memory_space<vmem>> -> memref<8x128xf32, #tpu.memory_space<vmem>>
    %dma_start3A_162 = tpu.memref_slice %arg2[%multiple_of3A_46, %multiple_of3A_156] : memref<128x100000xf32, #tpu.memory_space<hbm>> -> memref<8x128xf32, #tpu.memory_space<hbm>>
    %dma_start3A_163 = arith.constant 0 : i32
    %dma_start3A_164 = arith.constant 0 : i32
    %dma_start3A_165 = tpu.memref_slice %arg7[%dma_start3A_157, %dma_start3A_163, %dma_start3A_164] : memref<4x8x128xf32, #tpu.memory_space<vmem>> -> memref<1x8x128xf32, #tpu.memory_space<vmem>>
    %dma_start3A_166 = tpu.memref_squeeze %dma_start3A_165 : memref<1x8x128xf32, #tpu.memory_space<vmem>> -> memref<8x128xf32, #tpu.memory_space<vmem>>
    %dma_start3A_167 = tpu.memref_slice %arg2[%multiple_of3A_46, %multiple_of3A_156] : memref<128x100000xf32, #tpu.memory_space<hbm>> -> memref<8x128xf32, #tpu.memory_space<hbm>>
    tpu.enqueue_dma source(%dma_start3A_167 : memref<8x128xf32, #tpu.memory_space<hbm>>) target(%dma_start3A_166 : memref<8x128xf32, #tpu.memory_space<vmem>>) target_semaphore(%arg10 : memref<!tpu.dma_semaphore, #tpu.memory_space<semaphore_mem>>)
    %jit3A_168 = arith.constant 4 : i32
    %eq3A_169 = arith.constant 0 : i32
    %eq3A_170 = arith.cmpi eq, %jit3A_168, %eq3A_169 : i32
    %jit3A_171 = arith.constant 1 : i32
    %select_n3A_172 = arith.select %eq3A_170, %jit3A_171, %jit3A_168 : i32
    %rem3A_173 = arith.remsi %add3A, %select_n3A_172 : i32
    %ne3A_174 = arith.constant 0 : i32
    %ne3A_175 = arith.cmpi ne, %rem3A_173, %ne3A_174 : i32
    %lt3A_176 = arith.constant 0 : i32
    %lt3A_177 = arith.cmpi slt, %rem3A_173, %lt3A_176 : i32
    %lt3A_178 = arith.constant 0 : i32
    %lt3A_179 = arith.cmpi slt, %select_n3A_172, %lt3A_178 : i32
    %ne3A_180 = arith.xori %lt3A_177, %lt3A_179 : i1
    %and3A_181 = arith.andi %ne3A_180, %ne3A_175 : i1
    %add3A_182 = arith.addi %rem3A_173, %select_n3A_172 : i32
    %select_n3A_183 = arith.select %and3A_181, %add3A_182, %rem3A_173 : i32
    %mul3A_184 = arith.constant 4 : i32
    %mul3A_185 = arith.muli %select_n3A_183, %mul3A_184 : i32
    %add3A_186 = arith.constant 3 : i32
    %add3A_187 = arith.addi %mul3A_185, %add3A_186 : i32
    %eq3A_188 = vector.broadcast %add3A_187 : i32 to vector<16xi32>
    %eq3A_189 = arith.cmpi eq, %iota3A, %eq3A_188 : vector<16xi32>
    %convert_element_type3A_190 = arith.extui %eq3A_189 : vector<16xi1> to vector<16xi32>
    %mul3A_191 = arith.muli %get3A_19, %convert_element_type3A_190 : vector<16xi32>
    %reduce_sum3A_192 = arith.constant true
    %reduce_sum3A_193 = vector.broadcast %reduce_sum3A_192 : i1 to vector<16xi1>
    %reduce_sum3A_194 = tpu.scan <sum>, %mul3A_191 masked %reduce_sum3A_193 : vector<16xi32>, vector<16xi1> -> vector<16xi32>
    %reduce_sum3A_195 = vector.extract %reduce_sum3A_194[15] : i32 from vector<16xi32>
    %and3A_196 = arith.constant -128 : i32
    %and3A_197 = arith.andi %reduce_sum3A_195, %and3A_196 : i32
    %multiple_of3A_198 = tpu.assume_multiple %and3A_197, 128 : i32
    %dma_start3A_199 = arith.constant 3 : i32
    %dma_start3A_200 = arith.constant 0 : i32
    %dma_start3A_201 = arith.constant 0 : i32
    %dma_start3A_202 = tpu.memref_slice %arg7[%dma_start3A_199, %dma_start3A_200, %dma_start3A_201] : memref<4x8x128xf32, #tpu.memory_space<vmem>> -> memref<1x8x128xf32, #tpu.memory_space<vmem>>
    %dma_start3A_203 = tpu.memref_squeeze %dma_start3A_202 : memref<1x8x128xf32, #tpu.memory_space<vmem>> -> memref<8x128xf32, #tpu.memory_space<vmem>>
    %dma_start3A_204 = tpu.memref_slice %arg2[%multiple_of3A_46, %multiple_of3A_198] : memref<128x100000xf32, #tpu.memory_space<hbm>> -> memref<8x128xf32, #tpu.memory_space<hbm>>
    %dma_start3A_205 = arith.constant 0 : i32
    %dma_start3A_206 = arith.constant 0 : i32
    %dma_start3A_207 = tpu.memref_slice %arg7[%dma_start3A_199, %dma_start3A_205, %dma_start3A_206] : memref<4x8x128xf32, #tpu.memory_space<vmem>> -> memref<1x8x128xf32, #tpu.memory_space<vmem>>
    %dma_start3A_208 = tpu.memref_squeeze %dma_start3A_207 : memref<1x8x128xf32, #tpu.memory_space<vmem>> -> memref<8x128xf32, #tpu.memory_space<vmem>>
    %dma_start3A_209 = tpu.memref_slice %arg2[%multiple_of3A_46, %multiple_of3A_198] : memref<128x100000xf32, #tpu.memory_space<hbm>> -> memref<8x128xf32, #tpu.memory_space<hbm>>
    tpu.enqueue_dma source(%dma_start3A_209 : memref<8x128xf32, #tpu.memory_space<hbm>>) target(%dma_start3A_208 : memref<8x128xf32, #tpu.memory_space<vmem>>) target_semaphore(%arg10 : memref<!tpu.dma_semaphore, #tpu.memory_space<semaphore_mem>>)
    %dma_wait3A = arith.constant 0 : i32
    %dma_wait3A_210 = arith.constant 0 : i32
    %dma_wait3A_211 = arith.constant 0 : i32
    %dma_wait3A_212 = tpu.memref_slice %arg7[%dma_wait3A, %dma_wait3A_210, %dma_wait3A_211] : memref<4x8x128xf32, #tpu.memory_space<vmem>> -> memref<1x8x128xf32, #tpu.memory_space<vmem>>
    %dma_wait3A_213 = tpu.memref_squeeze %dma_wait3A_212 : memref<1x8x128xf32, #tpu.memory_space<vmem>> -> memref<8x128xf32, #tpu.memory_space<vmem>>
    %dma_wait3A_214 = tpu.memref_slice %arg2[%multiple_of3A_46, %multiple_of3A_73] : memref<128x100000xf32, #tpu.memory_space<hbm>> -> memref<8x128xf32, #tpu.memory_space<hbm>>
    %dma_wait3A_215 = arith.constant 0 : i32
    %dma_wait3A_216 = arith.constant 0 : i32
    %dma_wait3A_217 = tpu.memref_slice %arg7[%dma_wait3A, %dma_wait3A_215, %dma_wait3A_216] : memref<4x8x128xf32, #tpu.memory_space<vmem>> -> memref<1x8x128xf32, #tpu.memory_space<vmem>>
    %dma_wait3A_218 = tpu.memref_squeeze %dma_wait3A_217 : memref<1x8x128xf32, #tpu.memory_space<vmem>> -> memref<8x128xf32, #tpu.memory_space<vmem>>
    %dma_wait3A_219 = tpu.memref_slice %arg2[%multiple_of3A_46, %multiple_of3A_73] : memref<128x100000xf32, #tpu.memory_space<hbm>> -> memref<8x128xf32, #tpu.memory_space<hbm>>
    tpu.wait_dma2 semaphore(%arg10 : memref<!tpu.dma_semaphore, #tpu.memory_space<semaphore_mem>>) src(%dma_wait3A_219 : memref<8x128xf32, #tpu.memory_space<hbm>>) dst(%dma_wait3A_218 : memref<8x128xf32, #tpu.memory_space<vmem>>)
    %dma_wait3A_220 = arith.constant 1 : i32
    %dma_wait3A_221 = arith.constant 0 : i32
    %dma_wait3A_222 = arith.constant 0 : i32
    %dma_wait3A_223 = tpu.memref_slice %arg7[%dma_wait3A_220, %dma_wait3A_221, %dma_wait3A_222] : memref<4x8x128xf32, #tpu.memory_space<vmem>> -> memref<1x8x128xf32, #tpu.memory_space<vmem>>
    %dma_wait3A_224 = tpu.memref_squeeze %dma_wait3A_223 : memref<1x8x128xf32, #tpu.memory_space<vmem>> -> memref<8x128xf32, #tpu.memory_space<vmem>>
    %dma_wait3A_225 = tpu.memref_slice %arg2[%multiple_of3A_46, %multiple_of3A_114] : memref<128x100000xf32, #tpu.memory_space<hbm>> -> memref<8x128xf32, #tpu.memory_space<hbm>>
    %dma_wait3A_226 = arith.constant 0 : i32
    %dma_wait3A_227 = arith.constant 0 : i32
    %dma_wait3A_228 = tpu.memref_slice %arg7[%dma_wait3A_220, %dma_wait3A_226, %dma_wait3A_227] : memref<4x8x128xf32, #tpu.memory_space<vmem>> -> memref<1x8x128xf32, #tpu.memory_space<vmem>>
    %dma_wait3A_229 = tpu.memref_squeeze %dma_wait3A_228 : memref<1x8x128xf32, #tpu.memory_space<vmem>> -> memref<8x128xf32, #tpu.memory_space<vmem>>
    %dma_wait3A_230 = tpu.memref_slice %arg2[%multiple_of3A_46, %multiple_of3A_114] : memref<128x100000xf32, #tpu.memory_space<hbm>> -> memref<8x128xf32, #tpu.memory_space<hbm>>
    tpu.wait_dma2 semaphore(%arg10 : memref<!tpu.dma_semaphore, #tpu.memory_space<semaphore_mem>>) src(%dma_wait3A_230 : memref<8x128xf32, #tpu.memory_space<hbm>>) dst(%dma_wait3A_229 : memref<8x128xf32, #tpu.memory_space<vmem>>)
    %dma_wait3A_231 = arith.constant 2 : i32
    %dma_wait3A_232 = arith.constant 0 : i32
    %dma_wait3A_233 = arith.constant 0 : i32
    %dma_wait3A_234 = tpu.memref_slice %arg7[%dma_wait3A_231, %dma_wait3A_232, %dma_wait3A_233] : memref<4x8x128xf32, #tpu.memory_space<vmem>> -> memref<1x8x128xf32, #tpu.memory_space<vmem>>
    %dma_wait3A_235 = tpu.memref_squeeze %dma_wait3A_234 : memref<1x8x128xf32, #tpu.memory_space<vmem>> -> memref<8x128xf32, #tpu.memory_space<vmem>>
    %dma_wait3A_236 = tpu.memref_slice %arg2[%multiple_of3A_46, %multiple_of3A_156] : memref<128x100000xf32, #tpu.memory_space<hbm>> -> memref<8x128xf32, #tpu.memory_space<hbm>>
    %dma_wait3A_237 = arith.constant 0 : i32
    %dma_wait3A_238 = arith.constant 0 : i32
    %dma_wait3A_239 = tpu.memref_slice %arg7[%dma_wait3A_231, %dma_wait3A_237, %dma_wait3A_238] : memref<4x8x128xf32, #tpu.memory_space<vmem>> -> memref<1x8x128xf32, #tpu.memory_space<vmem>>
    %dma_wait3A_240 = tpu.memref_squeeze %dma_wait3A_239 : memref<1x8x128xf32, #tpu.memory_space<vmem>> -> memref<8x128xf32, #tpu.memory_space<vmem>>
    %dma_wait3A_241 = tpu.memref_slice %arg2[%multiple_of3A_46, %multiple_of3A_156] : memref<128x100000xf32, #tpu.memory_space<hbm>> -> memref<8x128xf32, #tpu.memory_space<hbm>>
    tpu.wait_dma2 semaphore(%arg10 : memref<!tpu.dma_semaphore, #tpu.memory_space<semaphore_mem>>) src(%dma_wait3A_241 : memref<8x128xf32, #tpu.memory_space<hbm>>) dst(%dma_wait3A_240 : memref<8x128xf32, #tpu.memory_space<vmem>>)
    %dma_wait3A_242 = arith.constant 3 : i32
    %dma_wait3A_243 = arith.constant 0 : i32
    %dma_wait3A_244 = arith.constant 0 : i32
    %dma_wait3A_245 = tpu.memref_slice %arg7[%dma_wait3A_242, %dma_wait3A_243, %dma_wait3A_244] : memref<4x8x128xf32, #tpu.memory_space<vmem>> -> memref<1x8x128xf32, #tpu.memory_space<vmem>>
    %dma_wait3A_246 = tpu.memref_squeeze %dma_wait3A_245 : memref<1x8x128xf32, #tpu.memory_space<vmem>> -> memref<8x128xf32, #tpu.memory_space<vmem>>
    %dma_wait3A_247 = tpu.memref_slice %arg2[%multiple_of3A_46, %multiple_of3A_198] : memref<128x100000xf32, #tpu.memory_space<hbm>> -> memref<8x128xf32, #tpu.memory_space<hbm>>
    %dma_wait3A_248 = arith.constant 0 : i32
    %dma_wait3A_249 = arith.constant 0 : i32
    %dma_wait3A_250 = tpu.memref_slice %arg7[%dma_wait3A_242, %dma_wait3A_248, %dma_wait3A_249] : memref<4x8x128xf32, #tpu.memory_space<vmem>> -> memref<1x8x128xf32, #tpu.memory_space<vmem>>
    %dma_wait3A_251 = tpu.memref_squeeze %dma_wait3A_250 : memref<1x8x128xf32, #tpu.memory_space<vmem>> -> memref<8x128xf32, #tpu.memory_space<vmem>>
    %dma_wait3A_252 = tpu.memref_slice %arg2[%multiple_of3A_46, %multiple_of3A_198] : memref<128x100000xf32, #tpu.memory_space<hbm>> -> memref<8x128xf32, #tpu.memory_space<hbm>>
    tpu.wait_dma2 semaphore(%arg10 : memref<!tpu.dma_semaphore, #tpu.memory_space<semaphore_mem>>) src(%dma_wait3A_252 : memref<8x128xf32, #tpu.memory_space<hbm>>) dst(%dma_wait3A_251 : memref<8x128xf32, #tpu.memory_space<vmem>>)
    %jit3A_253 = arith.constant 2 : i32
    %eq3A_254 = arith.constant 0 : i32
    %eq3A_255 = arith.cmpi eq, %jit3A_253, %eq3A_254 : i32
    %jit3A_256 = arith.constant 1 : i32
    %select_n3A_257 = arith.select %eq3A_255, %jit3A_256, %jit3A_253 : i32
    %rem3A_258 = arith.remsi %add3A, %select_n3A_257 : i32
    %ne3A_259 = arith.constant 0 : i32
    %ne3A_260 = arith.cmpi ne, %rem3A_258, %ne3A_259 : i32
    %lt3A_261 = arith.constant 0 : i32
    %lt3A_262 = arith.cmpi slt, %rem3A_258, %lt3A_261 : i32
    %lt3A_263 = arith.constant 0 : i32
    %lt3A_264 = arith.cmpi slt, %select_n3A_257, %lt3A_263 : i32
    %ne3A_265 = arith.xori %lt3A_262, %lt3A_264 : i1
    %and3A_266 = arith.andi %ne3A_265, %ne3A_260 : i1
    %add3A_267 = arith.addi %rem3A_258, %select_n3A_257 : i32
    %select_n3A_268 = arith.select %and3A_266, %add3A_267, %rem3A_258 : i32
    %mul3A_269 = arith.constant 4 : i32
    %mul3A_270 = arith.muli %select_n3A_268, %mul3A_269 : i32
    %add3A_271 = arith.constant 0 : i32
    %add3A_272 = arith.addi %mul3A_270, %add3A_271 : i32
    %and3A_273 = arith.constant 127 : i32
    %and3A_274 = arith.andi %reduce_sum3A_70, %and3A_273 : i32
    %and3A_275 = arith.constant -16 : i32
    %and3A_276 = arith.andi %and3A_274, %and3A_275 : i32
    %get3A_277 = arith.constant 0 : i32
    %get3A_278 = arith.index_cast %get3A_277 : i32 to index
    %get3A_279 = arith.index_cast %add3A_272 : i32 to index
    %get3A_280 = arith.index_cast %and3A_276 : i32 to index
    %get3A_281 = tpu.vector_load %arg7[%get3A_278, %get3A_279, %get3A_280] {strides = array<i32>} : memref<4x8x128xf32, #tpu.memory_space<vmem>>, vector<16xf32>,
    %and3A_282 = arith.constant 15 : i32
    %and3A_283 = arith.andi %and3A_274, %and3A_282 : i32
    %eq3A_284 = vector.broadcast %and3A_283 : i32 to vector<16xi32>
    %eq3A_285 = arith.cmpi eq, %iota3A, %eq3A_284 : vector<16xi32>
    %convert_element_type3A_286 = arith.extui %eq3A_285 : vector<16xi1> to vector<16xi32>
    %convert_element_type3A_287 = arith.sitofp %convert_element_type3A_286 : vector<16xi32> to vector<16xf32>
    %mul3A_288 = arith.mulf %get3A_281, %convert_element_type3A_287 : vector<16xf32>
    %reduce_sum3A_289 = arith.constant true
    %reduce_sum3A_290 = vector.broadcast %reduce_sum3A_289 : i1 to vector<16xi1>
    %reduce_sum3A_291 = tpu.scan <sum>, %mul3A_288 masked %reduce_sum3A_290 : vector<16xf32>, vector<16xi1> -> vector<16xf32>
    %reduce_sum3A_292 = vector.extract %reduce_sum3A_291[15] : f32 from vector<16xf32>
    %broadcast_in_dim3A = vector.broadcast %reduce_sum3A_292 : f32 to vector<16xf32>
    %swap3A = arith.constant 0 : i32
    %swap3A_293 = arith.index_cast %swap3A : i32 to index
    %swap3A_294 = arith.constant 0 : index
    %swap3A_295 = tpu.vector_load %arg8[%swap3A_293, %swap3A_294] {strides = array<i32>} : memref<4x16xf32, #tpu.memory_space<vmem>>, vector<16xf32>,
    tpu.vector_store %arg8[%swap3A_293, %swap3A_294], %broadcast_in_dim3A {strides = array<i32>} : memref<4x16xf32, #tpu.memory_space<vmem>>, vector<16xf32>,
    %broadcast_in_dim3A_296 = vector.broadcast %reduce_sum3A_70 : i32 to vector<16xi32>
    %swap3A_297 = arith.constant 0 : i32
    %swap3A_298 = arith.index_cast %swap3A_297 : i32 to index
    %swap3A_299 = arith.constant 0 : index
    %swap3A_300 = tpu.vector_load %arg9[%swap3A_298, %swap3A_299] {strides = array<i32>} : memref<4x16xi32, #tpu.memory_space<vmem>>, vector<16xi32>,
    tpu.vector_store %arg9[%swap3A_298, %swap3A_299], %broadcast_in_dim3A_296 {strides = array<i32>} : memref<4x16xi32, #tpu.memory_space<vmem>>, vector<16xi32>,
    %jit3A_301 = arith.constant 2 : i32
    %eq3A_302 = arith.constant 0 : i32
    %eq3A_303 = arith.cmpi eq, %jit3A_301, %eq3A_302 : i32
    %jit3A_304 = arith.constant 1 : i32
    %select_n3A_305 = arith.select %eq3A_303, %jit3A_304, %jit3A_301 : i32
    %rem3A_306 = arith.remsi %add3A, %select_n3A_305 : i32
    %ne3A_307 = arith.constant 0 : i32
    %ne3A_308 = arith.cmpi ne, %rem3A_306, %ne3A_307 : i32
    %lt3A_309 = arith.constant 0 : i32
    %lt3A_310 = arith.cmpi slt, %rem3A_306, %lt3A_309 : i32
    %lt3A_311 = arith.constant 0 : i32
    %lt3A_312 = arith.cmpi slt, %select_n3A_305, %lt3A_311 : i32
    %ne3A_313 = arith.xori %lt3A_310, %lt3A_312 : i1
    %and3A_314 = arith.andi %ne3A_313, %ne3A_308 : i1
    %add3A_315 = arith.addi %rem3A_306, %select_n3A_305 : i32
    %select_n3A_316 = arith.select %and3A_314, %add3A_315, %rem3A_306 : i32
    %mul3A_317 = arith.constant 4 : i32
    %mul3A_318 = arith.muli %select_n3A_316, %mul3A_317 : i32
    %add3A_319 = arith.constant 1 : i32
    %add3A_320 = arith.addi %mul3A_318, %add3A_319 : i32
    %and3A_321 = arith.constant 127 : i32
    %and3A_322 = arith.andi %reduce_sum3A_111, %and3A_321 : i32
    %and3A_323 = arith.constant -16 : i32
    %and3A_324 = arith.andi %and3A_322, %and3A_323 : i32
    %get3A_325 = arith.constant 1 : i32
    %get3A_326 = arith.index_cast %get3A_325 : i32 to index
    %get3A_327 = arith.index_cast %add3A_320 : i32 to index
    %get3A_328 = arith.index_cast %and3A_324 : i32 to index
    %get3A_329 = tpu.vector_load %arg7[%get3A_326, %get3A_327, %get3A_328] {strides = array<i32>} : memref<4x8x128xf32, #tpu.memory_space<vmem>>, vector<16xf32>,
    %and3A_330 = arith.constant 15 : i32
    %and3A_331 = arith.andi %and3A_322, %and3A_330 : i32
    %eq3A_332 = vector.broadcast %and3A_331 : i32 to vector<16xi32>
    %eq3A_333 = arith.cmpi eq, %iota3A, %eq3A_332 : vector<16xi32>
    %convert_element_type3A_334 = arith.extui %eq3A_333 : vector<16xi1> to vector<16xi32>
    %convert_element_type3A_335 = arith.sitofp %convert_element_type3A_334 : vector<16xi32> to vector<16xf32>
    %mul3A_336 = arith.mulf %get3A_329, %convert_element_type3A_335 : vector<16xf32>
    %reduce_sum3A_337 = arith.constant true
    %reduce_sum3A_338 = vector.broadcast %reduce_sum3A_337 : i1 to vector<16xi1>
    %reduce_sum3A_339 = tpu.scan <sum>, %mul3A_336 masked %reduce_sum3A_338 : vector<16xf32>, vector<16xi1> -> vector<16xf32>
    %reduce_sum3A_340 = vector.extract %reduce_sum3A_339[15] : f32 from vector<16xf32>
    %broadcast_in_dim3A_341 = vector.broadcast %reduce_sum3A_340 : f32 to vector<16xf32>
    %swap3A_342 = arith.constant 1 : i32
    %swap3A_343 = arith.index_cast %swap3A_342 : i32 to index
    %swap3A_344 = arith.constant 0 : index
    %swap3A_345 = tpu.vector_load %arg8[%swap3A_343, %swap3A_344] {strides = array<i32>} : memref<4x16xf32, #tpu.memory_space<vmem>>, vector<16xf32>,
    tpu.vector_store %arg8[%swap3A_343, %swap3A_344], %broadcast_in_dim3A_341 {strides = array<i32>} : memref<4x16xf32, #tpu.memory_space<vmem>>, vector<16xf32>,
    %broadcast_in_dim3A_346 = vector.broadcast %reduce_sum3A_111 : i32 to vector<16xi32>
    %swap3A_347 = arith.constant 1 : i32
    %swap3A_348 = arith.index_cast %swap3A_347 : i32 to index
    %swap3A_349 = arith.constant 0 : index
    %swap3A_350 = tpu.vector_load %arg9[%swap3A_348, %swap3A_349] {strides = array<i32>} : memref<4x16xi32, #tpu.memory_space<vmem>>, vector<16xi32>,
    tpu.vector_store %arg9[%swap3A_348, %swap3A_349], %broadcast_in_dim3A_346 {strides = array<i32>} : memref<4x16xi32, #tpu.memory_space<vmem>>, vector<16xi32>,
    %jit3A_351 = arith.constant 2 : i32
    %eq3A_352 = arith.constant 0 : i32
    %eq3A_353 = arith.cmpi eq, %jit3A_351, %eq3A_352 : i32
    %jit3A_354 = arith.constant 1 : i32
    %select_n3A_355 = arith.select %eq3A_353, %jit3A_354, %jit3A_351 : i32
    %rem3A_356 = arith.remsi %add3A, %select_n3A_355 : i32
    %ne3A_357 = arith.constant 0 : i32
    %ne3A_358 = arith.cmpi ne, %rem3A_356, %ne3A_357 : i32
    %lt3A_359 = arith.constant 0 : i32
    %lt3A_360 = arith.cmpi slt, %rem3A_356, %lt3A_359 : i32
    %lt3A_361 = arith.constant 0 : i32
    %lt3A_362 = arith.cmpi slt, %select_n3A_355, %lt3A_361 : i32
    %ne3A_363 = arith.xori %lt3A_360, %lt3A_362 : i1
    %and3A_364 = arith.andi %ne3A_363, %ne3A_358 : i1
    %add3A_365 = arith.addi %rem3A_356, %select_n3A_355 : i32
    %select_n3A_366 = arith.select %and3A_364, %add3A_365, %rem3A_356 : i32
    %mul3A_367 = arith.constant 4 : i32
    %mul3A_368 = arith.muli %select_n3A_366, %mul3A_367 : i32
    %add3A_369 = arith.constant 2 : i32
    %add3A_370 = arith.addi %mul3A_368, %add3A_369 : i32
    %and3A_371 = arith.constant 127 : i32
    %and3A_372 = arith.andi %reduce_sum3A_153, %and3A_371 : i32
    %and3A_373 = arith.constant -16 : i32
    %and3A_374 = arith.andi %and3A_372, %and3A_373 : i32
    %get3A_375 = arith.constant 2 : i32
    %get3A_376 = arith.index_cast %get3A_375 : i32 to index
    %get3A_377 = arith.index_cast %add3A_370 : i32 to index
    %get3A_378 = arith.index_cast %and3A_374 : i32 to index
    %get3A_379 = tpu.vector_load %arg7[%get3A_376, %get3A_377, %get3A_378] {strides = array<i32>} : memref<4x8x128xf32, #tpu.memory_space<vmem>>, vector<16xf32>,
    %and3A_380 = arith.constant 15 : i32
    %and3A_381 = arith.andi %and3A_372, %and3A_380 : i32
    %eq3A_382 = vector.broadcast %and3A_381 : i32 to vector<16xi32>
    %eq3A_383 = arith.cmpi eq, %iota3A, %eq3A_382 : vector<16xi32>
    %convert_element_type3A_384 = arith.extui %eq3A_383 : vector<16xi1> to vector<16xi32>
    %convert_element_type3A_385 = arith.sitofp %convert_element_type3A_384 : vector<16xi32> to vector<16xf32>
    %mul3A_386 = arith.mulf %get3A_379, %convert_element_type3A_385 : vector<16xf32>
    %reduce_sum3A_387 = arith.constant true
    %reduce_sum3A_388 = vector.broadcast %reduce_sum3A_387 : i1 to vector<16xi1>
    %reduce_sum3A_389 = tpu.scan <sum>, %mul3A_386 masked %reduce_sum3A_388 : vector<16xf32>, vector<16xi1> -> vector<16xf32>
    %reduce_sum3A_390 = vector.extract %reduce_sum3A_389[15] : f32 from vector<16xf32>
    %broadcast_in_dim3A_391 = vector.broadcast %reduce_sum3A_390 : f32 to vector<16xf32>
    %swap3A_392 = arith.constant 2 : i32
    %swap3A_393 = arith.index_cast %swap3A_392 : i32 to index
    %swap3A_394 = arith.constant 0 : index
    %swap3A_395 = tpu.vector_load %arg8[%swap3A_393, %swap3A_394] {strides = array<i32>} : memref<4x16xf32, #tpu.memory_space<vmem>>, vector<16xf32>,
    tpu.vector_store %arg8[%swap3A_393, %swap3A_394], %broadcast_in_dim3A_391 {strides = array<i32>} : memref<4x16xf32, #tpu.memory_space<vmem>>, vector<16xf32>,
    %broadcast_in_dim3A_396 = vector.broadcast %reduce_sum3A_153 : i32 to vector<16xi32>
    %swap3A_397 = arith.constant 2 : i32
    %swap3A_398 = arith.index_cast %swap3A_397 : i32 to index
    %swap3A_399 = arith.constant 0 : index
    %swap3A_400 = tpu.vector_load %arg9[%swap3A_398, %swap3A_399] {strides = array<i32>} : memref<4x16xi32, #tpu.memory_space<vmem>>, vector<16xi32>,
    tpu.vector_store %arg9[%swap3A_398, %swap3A_399], %broadcast_in_dim3A_396 {strides = array<i32>} : memref<4x16xi32, #tpu.memory_space<vmem>>, vector<16xi32>,
    %jit3A_401 = arith.constant 2 : i32
    %eq3A_402 = arith.constant 0 : i32
    %eq3A_403 = arith.cmpi eq, %jit3A_401, %eq3A_402 : i32
    %jit3A_404 = arith.constant 1 : i32
    %select_n3A_405 = arith.select %eq3A_403, %jit3A_404, %jit3A_401 : i32
    %rem3A_406 = arith.remsi %add3A, %select_n3A_405 : i32
    %ne3A_407 = arith.constant 0 : i32
    %ne3A_408 = arith.cmpi ne, %rem3A_406, %ne3A_407 : i32
    %lt3A_409 = arith.constant 0 : i32
    %lt3A_410 = arith.cmpi slt, %rem3A_406, %lt3A_409 : i32
    %lt3A_411 = arith.constant 0 : i32
    %lt3A_412 = arith.cmpi slt, %select_n3A_405, %lt3A_411 : i32
    %ne3A_413 = arith.xori %lt3A_410, %lt3A_412 : i1
    %and3A_414 = arith.andi %ne3A_413, %ne3A_408 : i1
    %add3A_415 = arith.addi %rem3A_406, %select_n3A_405 : i32
    %select_n3A_416 = arith.select %and3A_414, %add3A_415, %rem3A_406 : i32
    %mul3A_417 = arith.constant 4 : i32
    %mul3A_418 = arith.muli %select_n3A_416, %mul3A_417 : i32
    %add3A_419 = arith.constant 3 : i32
    %add3A_420 = arith.addi %mul3A_418, %add3A_419 : i32
    %and3A_421 = arith.constant 127 : i32
    %and3A_422 = arith.andi %reduce_sum3A_195, %and3A_421 : i32
    %and3A_423 = arith.constant -16 : i32
    %and3A_424 = arith.andi %and3A_422, %and3A_423 : i32
    %get3A_425 = arith.constant 3 : i32
    %get3A_426 = arith.index_cast %get3A_425 : i32 to index
    %get3A_427 = arith.index_cast %add3A_420 : i32 to index
    %get3A_428 = arith.index_cast %and3A_424 : i32 to index
    %get3A_429 = tpu.vector_load %arg7[%get3A_426, %get3A_427, %get3A_428] {strides = array<i32>} : memref<4x8x128xf32, #tpu.memory_space<vmem>>, vector<16xf32>,
    %and3A_430 = arith.constant 15 : i32
    %and3A_431 = arith.andi %and3A_422, %and3A_430 : i32
    %eq3A_432 = vector.broadcast %and3A_431 : i32 to vector<16xi32>
    %eq3A_433 = arith.cmpi eq, %iota3A, %eq3A_432 : vector<16xi32>
    %convert_element_type3A_434 = arith.extui %eq3A_433 : vector<16xi1> to vector<16xi32>
    %convert_element_type3A_435 = arith.sitofp %convert_element_type3A_434 : vector<16xi32> to vector<16xf32>
    %mul3A_436 = arith.mulf %get3A_429, %convert_element_type3A_435 : vector<16xf32>
    %reduce_sum3A_437 = arith.constant true
    %reduce_sum3A_438 = vector.broadcast %reduce_sum3A_437 : i1 to vector<16xi1>
    %reduce_sum3A_439 = tpu.scan <sum>, %mul3A_436 masked %reduce_sum3A_438 : vector<16xf32>, vector<16xi1> -> vector<16xf32>
    %reduce_sum3A_440 = vector.extract %reduce_sum3A_439[15] : f32 from vector<16xf32>
    %broadcast_in_dim3A_441 = vector.broadcast %reduce_sum3A_440 : f32 to vector<16xf32>
    %swap3A_442 = arith.constant 3 : i32
    %swap3A_443 = arith.index_cast %swap3A_442 : i32 to index
    %swap3A_444 = arith.constant 0 : index
    %swap3A_445 = tpu.vector_load %arg8[%swap3A_443, %swap3A_444] {strides = array<i32>} : memref<4x16xf32, #tpu.memory_space<vmem>>, vector<16xf32>,
    tpu.vector_store %arg8[%swap3A_443, %swap3A_444], %broadcast_in_dim3A_441 {strides = array<i32>} : memref<4x16xf32, #tpu.memory_space<vmem>>, vector<16xf32>,
    %broadcast_in_dim3A_446 = vector.broadcast %reduce_sum3A_195 : i32 to vector<16xi32>
    %swap3A_447 = arith.constant 3 : i32
    %swap3A_448 = arith.index_cast %swap3A_447 : i32 to index
    %swap3A_449 = arith.constant 0 : index
    %swap3A_450 = tpu.vector_load %arg9[%swap3A_448, %swap3A_449] {strides = array<i32>} : memref<4x16xi32, #tpu.memory_space<vmem>>, vector<16xi32>,
    tpu.vector_store %arg9[%swap3A_448, %swap3A_449], %broadcast_in_dim3A_446 {strides = array<i32>} : memref<4x16xi32, #tpu.memory_space<vmem>>, vector<16xi32>,
    %mul3A_451 = arith.constant 4 : i32
    %mul3A_452 = arith.muli %add3A, %mul3A_451 : i32
    "tpu.region"() ({
      %run_scoped3A = tpu.sem_alloc : memref<!tpu.dma_semaphore, #tpu.memory_space<semaphore_mem>>
      %dma_start3A_455 = arith.constant 0 : i32
      %dma_start3A_456 = tpu.memref_slice %arg4[%mul3A_452, %dma_start3A_455] : memref<128x16xf32, #tpu.memory_space<hbm>> -> memref<4x16xf32, #tpu.memory_space<hbm>>
      %dma_start3A_457 = arith.constant 0 : i32
      %dma_start3A_458 = tpu.memref_slice %arg4[%mul3A_452, %dma_start3A_457] : memref<128x16xf32, #tpu.memory_space<hbm>> -> memref<4x16xf32, #tpu.memory_space<hbm>>
      tpu.enqueue_dma source(%arg8 : memref<4x16xf32, #tpu.memory_space<vmem>>) target(%dma_start3A_458 : memref<4x16xf32, #tpu.memory_space<hbm>>) target_semaphore(%run_scoped3A : memref<!tpu.dma_semaphore, #tpu.memory_space<semaphore_mem>>)
      %dma_wait3A_459 = arith.constant 0 : i32
      %dma_wait3A_460 = tpu.memref_slice %arg4[%mul3A_452, %dma_wait3A_459] : memref<128x16xf32, #tpu.memory_space<hbm>> -> memref<4x16xf32, #tpu.memory_space<hbm>>
      %dma_wait3A_461 = arith.constant 0 : i32
      %dma_wait3A_462 = tpu.memref_slice %arg4[%mul3A_452, %dma_wait3A_461] : memref<128x16xf32, #tpu.memory_space<hbm>> -> memref<4x16xf32, #tpu.memory_space<hbm>>
      tpu.wait_dma2 semaphore(%run_scoped3A : memref<!tpu.dma_semaphore, #tpu.memory_space<semaphore_mem>>) src(%arg8 : memref<4x16xf32, #tpu.memory_space<vmem>>) dst(%dma_wait3A_462 : memref<4x16xf32, #tpu.memory_space<hbm>>)
      tpu.yield
    }) : () -> ()
    %mul3A_453 = arith.constant 4 : i32
    %mul3A_454 = arith.muli %add3A, %mul3A_453 : i32
    "tpu.region"() ({
      %run_scoped3A = tpu.sem_alloc : memref<!tpu.dma_semaphore, #tpu.memory_space<semaphore_mem>>
      %dma_start3A_455 = arith.constant 0 : i32
      %dma_start3A_456 = tpu.memref_slice %arg5[%mul3A_454, %dma_start3A_455] : memref<128x16xi32, #tpu.memory_space<hbm>> -> memref<4x16xi32, #tpu.memory_space<hbm>>
      %dma_start3A_457 = arith.constant 0 : i32
      %dma_start3A_458 = tpu.memref_slice %arg5[%mul3A_454, %dma_start3A_457] : memref<128x16xi32, #tpu.memory_space<hbm>> -> memref<4x16xi32, #tpu.memory_space<hbm>>
      tpu.enqueue_dma source(%arg9 : memref<4x16xi32, #tpu.memory_space<vmem>>) target(%dma_start3A_458 : memref<4x16xi32, #tpu.memory_space<hbm>>) target_semaphore(%run_scoped3A : memref<!tpu.dma_semaphore, #tpu.memory_space<semaphore_mem>>)
      %dma_wait3A_459 = arith.constant 0 : i32
      %dma_wait3A_460 = tpu.memref_slice %arg5[%mul3A_454, %dma_wait3A_459] : memref<128x16xi32, #tpu.memory_space<hbm>> -> memref<4x16xi32, #tpu.memory_space<hbm>>
      %dma_wait3A_461 = arith.constant 0 : i32
      %dma_wait3A_462 = tpu.memref_slice %arg5[%mul3A_454, %dma_wait3A_461] : memref<128x16xi32, #tpu.memory_space<hbm>> -> memref<4x16xi32, #tpu.memory_space<hbm>>
      tpu.wait_dma2 semaphore(%run_scoped3A : memref<!tpu.dma_semaphore, #tpu.memory_space<semaphore_mem>>) src(%arg9 : memref<4x16xi32, #tpu.memory_space<vmem>>) dst(%dma_wait3A_462 : memref<4x16xi32, #tpu.memory_space<hbm>>)
      tpu.yield
    }) : () -> ()
    return
  }
}

module attributes {stable_mosaic.version = 14 : i64} {
  func.func @_tc_count_kernel(%arg0: i32, %arg1: memref<32x100000xf32, #tpu.memory_space<vmem>>, %arg2: memref<32x16xi32, #tpu.memory_space<vmem>>, %arg3: memref<32x16xf32, #tpu.memory_space<vmem>>, %arg4: memref<1xf32, #tpu.memory_space<smem>>, %arg5: memref<128x1xf32, #tpu.memory_space<vmem>>) attributes {dimension_semantics = [#tpu.dimension_semantics<arbitrary>], iteration_bounds = array<i64: 4>, scalar_prefetch = 0 : i64, scratch_operands = 1 : i64, tpu.core_type = #tpu.core_type<tc>, window_params = [{transform_indices = @transform_0, window_bounds = array<i64: 32, 100000>}, {transform_indices = @transform_1, window_bounds = array<i64: 32, 16>}, {transform_indices = @transform_2, window_bounds = array<i64: 32, 16>}, {transform_indices = @transform_3, window_bounds = array<i64: 1>}]} {
    %get3A = arith.constant 0 : index
    %get3A_0 = arith.constant 0 : index
    %get3A_1 = vector.load %arg1[%get3A, %get3A_0] : memref<32x100000xf32, #tpu.memory_space<vmem>>, vector<32x100000xf32>
    %get3A_2 = arith.constant 0 : index
    %get3A_3 = arith.constant 0 : index
    %get3A_4 = vector.load %arg3[%get3A_2, %get3A_3] : memref<32x16xf32, #tpu.memory_space<vmem>>, vector<32x1xf32>
    %get3A_5 = arith.constant 0 : index
    %get3A_6 = arith.constant 0 : index
    %get3A_7 = vector.load %arg2[%get3A_5, %get3A_6] : memref<32x16xi32, #tpu.memory_space<vmem>>, vector<32x1xi32>
    %iota3A = tpu.iota {dimensions = array<i32: 1>} : vector<32x100000xi32>
    %gt3A = vector.broadcast %get3A_4 : vector<32x1xf32> to vector<32x100000xf32>
    %gt3A_8 = arith.cmpf ogt, %get3A_1, %gt3A : vector<32x100000xf32>
    %eq3A = vector.broadcast %get3A_4 : vector<32x1xf32> to vector<32x100000xf32>
    %eq3A_9 = arith.cmpf oeq, %get3A_1, %eq3A : vector<32x100000xf32>
    %lt3A = vector.broadcast %get3A_7 : vector<32x1xi32> to vector<32x100000xi32>
    %lt3A_10 = arith.cmpi slt, %iota3A, %lt3A : vector<32x100000xi32>
    %and3A = arith.andi %eq3A_9, %lt3A_10 : vector<32x100000xi1>
    %or3A = arith.ori %gt3A_8, %and3A : vector<32x100000xi1>
    %convert_element_type3A = arith.extui %or3A : vector<32x100000xi1> to vector<32x100000xi32>
    %convert_element_type3A_11 = arith.sitofp %convert_element_type3A : vector<32x100000xi32> to vector<32x100000xf32>
    %reduce_sum3A = arith.constant dense<0.000000e+00> : vector<32xf32>
    %reduce_sum3A_12 = vector.multi_reduction <add>, %convert_element_type3A_11, %reduce_sum3A [1] : vector<32x100000xf32> to vector<32xf32>
    %broadcast_in_dim3A = vector.shape_cast %reduce_sum3A_12 : vector<32xf32> to vector<32x1xf32>
    %mul3A = arith.constant 32 : i32
    %mul3A_13 = arith.muli %arg0, %mul3A : i32
    %swap3A = arith.index_cast %mul3A_13 : i32 to index
    %swap3A_14 = arith.constant 0 : index
    %swap3A_15 = vector.load %arg5[%swap3A, %swap3A_14] : memref<128x1xf32, #tpu.memory_space<vmem>>, vector<32x1xf32>
    tpu.vector_store %arg5[%swap3A, %swap3A_14], %broadcast_in_dim3A {strides = array<i32>} : memref<128x1xf32, #tpu.memory_space<vmem>>, vector<32x1xf32>,
    %eq3A_16 = arith.constant 3 : i32
    %eq3A_17 = arith.cmpi eq, %arg0, %eq3A_16 : i32
    %convert_element_type3A_18 = arith.extui %eq3A_17 : i1 to i32
    %cond3A = arith.constant 0 : i32
    %cond3A_19 = arith.cmpi ne, %convert_element_type3A_18, %cond3A : i32
    scf.if %cond3A_19 {
      %get3A_20 = arith.constant 0 : index
      %get3A_21 = arith.constant 0 : index
      %get3A_22 = vector.load %arg5[%get3A_20, %get3A_21] : memref<128x1xf32, #tpu.memory_space<vmem>>, vector<128x1xf32>
      %ge3A = arith.constant 2.950000e+01 : f32
      %ge3A_23 = vector.broadcast %ge3A : f32 to vector<128x1xf32>
      %ge3A_24 = arith.cmpf oge, %get3A_22, %ge3A_23 : vector<128x1xf32>
      %convert_element_type3A_25 = arith.extui %ge3A_24 : vector<128x1xi1> to vector<128x1xi32>
      %convert_element_type3A_26 = arith.sitofp %convert_element_type3A_25 : vector<128x1xi32> to vector<128x1xf32>
      %reduce_sum3A_27 = arith.constant dense<0.000000e+00> : vector<1xf32>
      %reduce_sum3A_28 = vector.multi_reduction <add>, %convert_element_type3A_26, %reduce_sum3A_27 [0] : vector<128x1xf32> to vector<1xf32>
      %broadcast_in_dim3A_29 = vector.shape_cast %reduce_sum3A_28 : vector<1xf32> to vector<1x1xf32>
      %mul3A_30 = arith.constant 7.812500e-03 : f32
      %mul3A_31 = vector.broadcast %mul3A_30 : f32 to vector<1x1xf32>
      %mul3A_32 = arith.mulf %broadcast_in_dim3A_29, %mul3A_31 : vector<1x1xf32>
      %squeeze3A = vector.extract %mul3A_32[0, 0] : f32 from vector<1x1xf32>
      %swap3A_33 = arith.constant 0 : index
      %swap3A_34 = memref.load %arg4[%swap3A_33] : memref<1xf32, #tpu.memory_space<smem>>
      memref.store %squeeze3A, %arg4[%swap3A_33] : memref<1xf32, #tpu.memory_space<smem>>
    } else {
    }
    return
  }
  func.func @transform_0(%arg0: i32) -> (i32, i32) {
    %c0_i32 = arith.constant 0 : i32
    %c0_i32_0 = arith.constant 0 : i32
    return %arg0, %c0_i32 : i32, i32
  }
  func.func @transform_1(%arg0: i32) -> (i32, i32) {
    %c0_i32 = arith.constant 0 : i32
    %c0_i32_0 = arith.constant 0 : i32
    return %arg0, %c0_i32 : i32, i32
  }
  func.func @transform_2(%arg0: i32) -> (i32, i32) {
    %c0_i32 = arith.constant 0 : i32
    %c0_i32_0 = arith.constant 0 : i32
    return %arg0, %c0_i32 : i32, i32
  }
  func.func @transform_3(%arg0: i32) -> i32 {
    %c0_i32 = arith.constant 0 : i32
    %c0_i32_0 = arith.constant 0 : i32
    return %c0_i32 : i32
  }
}

</mosaic_0001>

<sc_bundles>
// kernel: kernel.4.cloned.1.call-start
scs
__scs_entry_jumppad:
0x0: {  	(pc) =	sbr.rel $0x88, $3  }
0x1: {  	(tag) =	ssettag $0x0;
	lr =	simm.s32 $0x1  }
0x2: {  	[smem:$0x3F9F] =	sst lr;
	_ =	strace $0xD0000000  }
0x3: {  	_ = 	snop  }
0x4: {  	_ = 	snop  }
0x5: {  	_ = 	snop  }
0x6: {  	_ = 	snop  }
0x7: {  	_ = 	snop  }
__scs_overlays_trampoline_lowered:
0x8: {  	[smem:$0x3FAE] =	sst s0  }
0x9: {  	[smem:$0x3FAF] =	sst s1  }
0xa: {  	[smem:$0x3FB0] =	sst s2  }
0xb: {  	[smem:$0x3FB1] =	sst s3  }
0xc: {  	[smem:$0x3FB2] =	sst s4  }
0xd: {  	[smem:$0x3FB3] =	sst s5  }
0xe: {  	[smem:$0x3FB4] =	sst s6  }
0xf: {  	[smem:$0x3FB5] =	sst s7  }
0x10: {  	[smem:$0x3FB6] =	sst s8  }
0x11: {  	[smem:$0x3FB7] =	sst s9;
	s0 =	simm.s32 @!p0 $0x0  }
0x12: {  	s1 =	sld [smem:$0x3F9D];
	s0 =	simm.s32 @p0 $0x1  }
0x13: {  	[smem:$0x3FB8] =	sst s0;
	s0 =	simm.s32 @!p1 $0x0  }
0x14: {  	s2 =	sld [smem:$0x3F9C];
	s0 =	simm.s32 @p1 $0x1  }
0x15: {  	[smem:$0x3FB9] =	sst s0;
	s0 =	simm.s32 @!p2 $0x0  }
0x16: {  	s3 =	sld [smem:$0x3FDB];
	s0 =	simm.s32 @p2 $0x1  }
0x17: {  	s4 =	simm.s32 $0x1BF5;
	[smem:$0x3FBB] =	sst s0  }
0x18: {  	s0 =	sld [smem:$0x3F9E];
	_ =	swait.ge [sflag:s4], $0x0  }
0x19: {  	s7 =	sld [smem:$0x3F9F]  }
0x1a: {  	s8 =	sadd.s32 $0xFFFFE003, lr  }
0x1b: {  	s9 =	sadd.s32 $0xFFFFFEF7, lr;
	s5 =	simm.s32 $0xFFFFFFFF;
	p2 =	slt.u32 s8, $0xFFFFF086  }
0x1c: {  	p1 =	slt.u32 s9, $0xF7A;
	s5 =	simm.s32 @!p2 $0x0  }
0x1d: {  	s5 =	simm.s32 @p1 $0x1;
	p0 =	seq.s32 s7, s2  }
0x1e: {  	s7 =	smul.u32 @!p0 $0xF7A, s2;
	p2 =	seq.s32 @!p0 s5, $0x0  }
0x1f: {  	s9 =	smul.u32 $0xF7A, s1;
	s8 =	simm.s32 @!p0 $0x1BF5;
	p2 =	por !p2, p0  }
0x20: {  	[sflag:s8] =	ssyncset.s32 @!p0 $0xFFFFF086;
	s6 =	sadd.s32 @!p0 s3, s7;
	s7 =	simm.s32 @!p0 $0x108  }
0x21: {  	s3 =	sadd.s32 s3, s9;
	s6 =	sadd.s32 @!p0 $0x88, s6;
	s7 =	simm.s32 @p2 $0x1082  }
0x22: {  	[simem:s7], [sflag:s8] =	dma.local @!p0 [hbm:s6], $0xF7A  }
0x23: {  	s9 =	sor.u32 $0xD0000000, s2;
	s6 =	simm.s32 $0x108;
	_ =	swait.ge @!p0 [sflag:s8], $0x0  }
0x24: {  	s3 =	sadd.s32 $0x88, s3;
	s6 =	simm.s32 @!p1 $0x1082;
	[sflag:s4] =	ssyncset.s32 $0xFFFFF086  }
0x25: {  	[simem:s6], [sflag:s4] =	dma.local [hbm:s3], $0xF7A  }
0x26: {  	[smem:$0x3F9F] =	sst s1;
	(tag) =	ssettag s2;
	_ =	strace s9  }
0x27: {  	s1 =	sld [smem:$0x3FAF]  }
0x28: {  	s2 =	sld [smem:$0x3FB0]  }
0x29: {  	s4 =	sld [smem:$0x3FB2]  }
0x2a: {  	p0 =	seq.s32 s5, $0x0;
	s5 =	sld [smem:$0x3FB3]  }
0x2b: {  	s6 =	sld [smem:$0x3FB4]  }
0x2c: {  	s7 =	sld [smem:$0x3FB5]  }
0x2d: {  	s3 =	simm.s32 $0x108;
	s8 =	sld [smem:$0x3FB6]  }
0x2e: {  	s3 =	simm.s32 @!p0 $0x1082;
	s9 =	sld [smem:$0x3FB7]  }
0x2f: {  	lr =	sadd.s32 s0, s3;
	s0 =	sld [smem:$0x3FAE]  }
0x30: {  	s3 =	sld [smem:$0x3FB1]  }
0x31: {  	[smem:$0x3FBA] =	sst s10  }
0x32: {  	s10 =	sld [smem:$0x3FB8];
	_ =	sdelay $0x3  }
0x33: {  	p0 =	seq.s32 s10, $0x1;
	s10 =	sld [smem:$0x3FBA];
	_ =	sdelay $0x3  }
0x34: {  	[smem:$0x3FBA] =	sst s10  }
0x35: {  	s10 =	sld [smem:$0x3FB9];
	_ =	sdelay $0x3  }
0x36: {  	p1 =	seq.s32 s10, $0x1;
	s10 =	sld [smem:$0x3FBA];
	_ =	sdelay $0x3  }
0x37: {  	[smem:$0x3FBA] =	sst s10  }
0x38: {  	s10 =	sld [smem:$0x3FBB]  }
0x39: {  	_ = 	snop;
	(pc) =	sbr.ind lr, $3  }
0x3a: {  	_ = 	snop  }
0x3b: {  	_ = 	snop  }
0x3c: {  	p2 =	seq.s32 s10, $0x1;
	s10 =	sld [smem:$0x3FBA]  }
0x3d: {  	_ =	shalt  }
0x3e: {  	_ =	shalt  }
0x3f: {  	_ =	shalt  }
0x40: {  	_ =	shalt  }
0x41: {  	_ =	shalt  }
0x42: {  	_ =	shalt  }
0x43: {  	_ =	shalt  }
0x44: {  	_ =	shalt  }
0x45: {  	_ =	shalt  }
0x46: {  	_ =	shalt  }
0x47: {  	_ =	shalt  }
0x48: {  	_ =	shalt  }
0x49: {  	_ =	shalt  }
0x4a: {  	_ =	shalt  }
0x4b: {  	_ =	shalt  }
0x4c: {  	_ =	shalt  }
0x4d: {  	_ =	shalt  }
0x4e: {  	_ =	shalt  }
0x4f: {  	_ =	shalt  }
0x50: {  	_ =	shalt  }
0x51: {  	_ =	shalt  }
0x52: {  	_ =	shalt  }
0x53: {  	_ =	shalt  }
0x54: {  	_ =	shalt  }
0x55: {  	_ =	shalt  }
0x56: {  	_ =	shalt  }
0x57: {  	_ =	shalt  }
0x58: {  	_ =	shalt  }
0x59: {  	_ =	shalt  }
0x5a: {  	_ =	shalt  }
0x5b: {  	_ =	shalt  }
0x5c: {  	_ =	shalt  }
0x5d: {  	_ =	shalt  }
0x5e: {  	_ =	shalt  }
0x5f: {  	_ =	shalt  }
0x60: {  	_ =	shalt  }
0x61: {  	_ =	shalt  }
0x62: {  	_ =	shalt  }
0x63: {  	_ =	shalt  }
0x64: {  	_ =	shalt  }
0x65: {  	_ =	shalt  }
0x66: {  	_ =	shalt  }
0x67: {  	_ =	shalt  }
0x68: {  	_ =	shalt  }
0x69: {  	_ =	shalt  }
0x6a: {  	_ =	shalt  }
0x6b: {  	_ =	shalt  }
0x6c: {  	_ =	shalt  }
0x6d: {  	_ =	shalt  }
0x6e: {  	_ =	shalt  }
0x6f: {  	_ =	shalt  }
0x70: {  	_ =	shalt  }
0x71: {  	_ =	shalt  }
0x72: {  	_ =	shalt  }
0x73: {  	_ =	shalt  }
0x74: {  	_ =	shalt  }
0x75: {  	_ =	shalt  }
0x76: {  	_ =	shalt  }
0x77: {  	_ =	shalt  }
0x78: {  	_ =	shalt  }
0x79: {  	_ =	shalt  }
0x7a: {  	_ =	shalt  }
0x7b: {  	_ =	shalt  }
0x7c: {  	_ =	shalt  }
0x7d: {  	_ =	shalt  }
0x7e: {  	_ =	shalt  }
0x7f: {  	_ =	shalt  }
0x80: {  	_ =	shalt  }
0x81: {  	_ =	shalt  }
0x82: {  	_ =	shalt  }
0x83: {  	_ =	shalt  }
0x84: {  	_ =	shalt  }
0x85: {  	_ =	shalt  }
0x86: {  	_ =	shalt  }
0x87: {  	_ =	shalt  }
.Lfunc_end0:
.L_simem_size_0:
called_computation_lowered:
.L_overlay_start_0:
0x88: {  	s2 =	sld [smem:$0x3FD9]  }
0x89: {  	s3 =	sld [smem:$0x3FFE];
	_ =	sdelay $0x1  }
0x8a: {  	s1 =	srdreg.scid  }
0x8b: {  	s0 =	sand.u32 $0x1, s1  }
0x8c: {  	s17 =	sshll.u32 s0, $0xA;
	s2 =	sadd.s32 s3, s2  }
0x8d: {  	s2 =	sadd.s32 s2, s17  }
0x8e: {  	[smem:$0x3FC6] =	sst s2  }
0x8f: {  	_ = 	snop  }
0x90: {  	s2 =	sld [smem:$0x3FC8];
	(tm) =	ssettm $0x1  }
0x91: {  	s18 =	sld [smem:$0x3FFB];
	_ =	sdelay $0x3  }
0x92: {  	_ =	strace s18  }
0x93: {  	s3 =	sld [smem:$0x3FFC];
	_ =	sdelay $0x3  }
0x94: {  	_ =	strace s3  }
0x95: {  	s3 =	sld [smem:$0x3FFD];
	_ =	sdelay $0x3  }
0x96: {  	_ =	strace s3  }
0x97: {  	_ =	strace $0x8FFFFFFF  }
0x98: {  	s19 =	sld [smem:$0x3FDB];
	_ =	sdelay $0x1  }
0x99: {  	s4 =	simm.s32 $_scs_section_size  }
0x9a: {  	s5 =	simm.s32 $_size__tile_overlayer_lowered;
	s6 =	simm.s32 $_tile_overlayer_lowered  }
0x9b: {  	s22 =	simm.s32 $0x1BFF;
	s21 =	sshll.u32 s6, $0x1;
	s3 =	sadd.s32 s4, s19  }
0x9c: {  	s7 =	simm.s32 $0x0;
	s20 =	sshll.u32 s5, $0x1;
	s5 =	sadd.s32 s21, s3  }
0x9d: {  	[timem:s7], [sflag:s22] =	dma.local [hbm:s5], s20  }
0x9e: {  	_ =	swait.ge [sflag:s22], s20  }
0x9f: {  	s4 =	ssub.s32 $0x0, s20;
	[sflag:s22] =	ssyncset.done $0x0  }
0xa0: {  	[sflag:s22] =	ssyncadd.s32 s4;
	_ =	sdelay $0x1  }
0xa1: {  	s23 =	simm.s32 $0x1B8B  }
0xa2: {  	_ =	swait.ge [sflag:s23], $0x1  }
0xa3: {  	[sflag:s23] =	ssyncset.done $0x0  }
0xa4: {  	s25 =	simm.s32 $0x1B8E;
	s24 =	sld [smem:$0x3FFE];
	[sflag:s23] =	ssyncadd.s32 $0xFFFFFFFF  }
0xa5: {  	s26 =	simm.s32 $execute0_lowered;
	[smem:$0x3FD2] =	sst s25  }
0xa6: {  	s5 =	sshll.u32 s26, $0x1;
	_ =	strace $0x80000046;
	[dreg:$0x1] =	wrdreg $0xFFFFFFFF  }
0xa7: {  	s28 =	simm.s32 $_size_execute0_lowered;
	s3 =	sadd.s32 s3, s5;
	[dreg:$0x0] =	wrdreg $0x0  }
0xa8: {  	s5 =	sshll.u32 s28, $0x1;
	[dreg:$0x2] =	wrdreg s3  }
0xa9: {  	[dreg:$0x3] =	wrdreg s5  }
0xaa: {  	[dreg:$0x4] =	wrdreg $0xC0  }
0xab: {  	_ =	task [dreg:s7], $0x5FFFF  }
0xac: {  	[dreg:$0x1] =	wrdreg $0xFFFFFFFF  }
0xad: {  	[dreg:$0x0] =	wrdreg $0x60  }
0xae: {  	[dreg:$0x2] =	wrdreg s24  }
0xaf: {  	[dreg:$0x3] =	wrdreg s2  }
0xb0: {  	[dreg:$0x4] =	wrdreg $0x9  }
0xb1: {  	_ =	task.clear_ibuf [dreg:s7], $0x5FFFF;
	_ =	strace $0x90000046  }
0xb2: {  	s29 =	simm.s32 $0x9;
	_ =	strace $0x80000048  }
0xb3: {  	_ =	swait.ge [sflag:s29], $0x1  }
0xb4: {  	[sflag:s29] =	ssyncadd.s32 $0xFFFFFFFF  }
0xb5: {  	_ =	strace $0x90000048  }
0xb6: {  	_ =	sfence  }
0xb7: {  	s30 =	sld [smem:$0x0];
	_ =	sdelay $0x2  }
0xb8: {  	s31 =	sshll.u32 s1, $0xD;
	s1 =	sshrl.u32 s1, $0x2  }
0xb9: {  	s3 =	sand.u32 $0x4000, s31;
	s1 =	sadd.s32 s1, s30  }
0xba: {  	s0 =	sor.u32 s3, s0;
	s1 =	sshll.u32 s1, $0x11  }
0xbb: {  	s0 =	sor.u32 s1, s0  }
0xbc: {  	s0 =	sadd.s32 $0x8F2B, s0  }
0xbd: {  	[sflag:s0] =	ssyncadd.remote.s32 $0x1  }
0xbe: {  	_ =	sfence.sel $0xFFFF  }
0xbf: {  	[dreg:$0x0] =	wrdreg $0xFFFFFFFF;
	(pc) =	sbr.abs _section_cstart, $3  }
0xc0: {  	[dreg:$0x1] =	wrdreg $0xFFFFFFFF  }
0xc1: {  	_ =	task.clear_ibuf [dreg:s7], $0x2FFFF;
	_ =	strace $0x9FFFFFFF  }
0xc2: {  	(tm) =	ssettm $0x7FFFFFFF  }
0xc3: {  	_ =	shalt  }
tec
execute0_lowered:
.L_overlay_start_1:
0x0: {  	(tag) =	ssettag $0x1  }
0x1: {  	s5 =	rddreg [dreg:$0x0]  }
0x2: {  	s3 =	rddreg [dreg:$0x1];
	s2 =	srdreg.scid  }
0x3: {  	s0 =	rddreg [dreg:$0x2];
	s1 =	stileid.u32  }
0x4: {  	s7 =	sand.u32 $0x1, s2;
	s2 =	simm.s32 $0x0;
	s14 =	sand.u32 $0xE, s1  }
0x5: {  	[smem:$0x7FF] =	sst s2;
	s3 =	sadd.s32 s3, s14  }
0x6: {  	s17 =	simm.s32 $0x80;
	_ =	strace $0x80000047;
	[dreg:$0x3] =	wrdreg s3  }
0x7: {  	s18 =	simm.s32 $0x480;
	[dreg:$0x4] =	wrdreg s17  }
0x8: {  	s19 =	simm.s32 $0x880;
	[dreg:$0x5] =	wrdreg s18  }
0x9: {  	s20 =	simm.s32 $0xC80;
	s21 =	simm.s32 $0x1080;
	[dreg:$0x6] =	wrdreg s19  }
0xa: {  	s4 =	sshll.u32 s1, $0x7;
	s6 =	sshll.u32 s7, $0x6;
	[dreg:$0x7] =	wrdreg s20  }
0xb: {  	s23 =	simm.s32 $0x1280;
	s4 =	sor.u32 s6, s4;
	[dreg:$0x9] =	wrdreg s21  }
0xc: {  	[dreg:$0xb] =	wrdreg s23;
	s4 =	sadd.s32 s4, s5  }
0xd: {  	s22 =	rddreg [dreg:$0x3];
	s15 =	sadd.s32 $0x187C00, s4  }
0xe: {  	[tilespmem:s2], [sflag:$0x2] =	stream.linear.gather [hbm4b:s22+s2], $0x10, $0x38;
	[tilespmem:$0x1480] =	vst v63  }
0xf: {  	s16 =	sadd.s32 $0x188400, s4;
	[dreg:$0x8] =	wrdreg s15  }
0x10: {  	s3 =	simm.s32 $0x2;
	[dreg:$0xa] =	wrdreg s16  }
0x11: {  	_ =	swait.ge [sflag:s3], $0x10  }
0x12: {  	s24 =	sshll.u32 s1, $0x1;
	[sflag:s3] =	ssyncset.done $0x0  }
0x13: {  	s4 =	sor.u32 s7, s24;
	[sflag:s3] =	ssyncadd.s32 $0xFFFFFFF0  }
0x14: {  	s25 =	sshll.u32 s4, $0x2;
	v1 =	vld [tilespmem:$0x0]  }
0x15: {  	s6 =	sand.u32 $0xC, s25  }
0x16: {  	s8 =	sor.u32 $0x1, s6  }
0x17: {  	v0 =	vlaneseq.u32;
	v2 =	vmov s8  }
0x18: {  	v3 =	vmov s6;
	s26 =	sor.u32 $0x3, s6;
	vm0 =	veq.s32 v2, v0  }
0x19: {  	s6 =	sor.u32 $0x2, s6;
	vm1 =	veq.s32 v3, v0;
	v2 =	vmov s26;
	v3 =	vnsel vm0, $0x0, v1  }
0x1a: {  	v4 =	vmov s6;
	vm2 =	veq.s32 v2, v0;
	v2 =	vnsel vm1, $0x0, v1;
	(xrf0) =	vadd.scan.msk.s32 $0xffff, v3  }
0x1b: {  	vm3 =	veq.s32 v4, v0;
	v3 =	vnsel vm2, $0x0, v1;
	(xrf0) =	vadd.scan.msk.s32 $0xffff, v2  }
0x1c: {  	v1 =	vnsel vm3, $0x0, v1;
	(xrf0) =	vadd.scan.msk.s32 $0xffff, v3  }
0x1d: {  	(xrf0) =	vadd.scan.msk.s32 $0xffff, v1;
	_ =	sdelay $0x2  }
0x1e: {  	v3, _, _ =	vpop (xrf0)  }
0x1f: {  	v58, _, _ =	vpop (xrf0);
	(v2sf) =	vpush v3, $0xF  }
0x20: {  	(v2sf) =	vpush v58, $0xF;
	v5, _, _ =	vpop (xrf0)  }
0x21: {  	v6, _, _ =	vpop (xrf0);
	(v2sf) =	vpush v5, $0xF  }
0x22: {  	(v2sf) =	vpush v6, $0xF;
	_ =	sdelay $0x7  }
0x23: {  	p1 =	seq.s32 s7, $0x1;
	p0 =	seq.s32 s4, $0x0  }
0x24: {  	p0 =	por !p0, !p1  }
0x25: {  	s4 =	simm.s32 $0x1;
	p0 =	por !p0, !p0  }
0x26: {  	s5 =	sadd.s32 $0xC00, s5;
	s10 =	rddreg [dreg:$0x5];
	s4 =	simm.s32 @!p0 $0x0  }
0x27: {  	s12 =	rddreg [dreg:$0x4];
	s4 =	ssub.s32 s1, s4;
	s11 =	spop (v2sf)  }
0x28: {  	s4 =	smul.u32 $0xC3800, s4;
	s29 =	sshll.u32 s11, $0x3;
	s13 =	spop (v2sf)  }
0x29: {  	s9 =	sshll.u32 s13, $0x3;
	s14 =	sand.u32 $0x7FFFFC00, s29;
	s30 =	spop (v2sf)  }
0x2a: {  	s15 =	sand.u32 $0x7FFFFC00, s9;
	s14 =	sadd.s32 s4, s14;
	s31 =	spop (v2sf)  }
0x2b: {  	s17 =	sshll.u32 s30, $0x3;
	s15 =	sadd.s32 s4, s15;
	s16 =	sshll.u32 s31, $0x3  }
0x2c: {  	s14 =	sshrl.u32 s14, $0x3;
	s15 =	sshrl.u32 s15, $0x3;
	s16 =	sand.u32 $0x7FFFFC00, s16  }
0x2d: {  	s17 =	sand.u32 $0x7FFFFC00, s17;
	s15 =	sadd.s32 s5, s15;
	s16 =	sadd.s32 s4, s16  }
0x2e: {  	[tilespmem:s12], [sflag:$0x1] =	stream.linear.gather [hbm4b:s15+s2], $0x400, $0x38;
	[tilespmem:$0x1480] =	vst v63  }
0x2f: {  	s14 =	sadd.s32 s5, s14;
	s15 =	sshrl.u32 s16, $0x3;
	s16 =	sadd.s32 s4, s17  }
0x30: {  	[tilespmem:s10], [sflag:$0x1] =	stream.linear.gather [hbm4b:s14+s2], $0x400, $0x38;
	[tilespmem:$0x1480] =	vst v63  }
0x31: {  	s28 =	rddreg [dreg:$0x6];
	s18 =	sadd.s32 s5, s15;
	s19 =	sshrl.u32 s16, $0x3  }
0x32: {  	[tilespmem:s28], [sflag:$0x1] =	stream.linear.gather [hbm4b:s18+s2], $0x400, $0x38;
	[tilespmem:$0x1480] =	vst v63  }
0x33: {  	s6 =	simm.s32 $0x1;
	s17 =	rddreg [dreg:$0x7];
	s20 =	sadd.s32 s5, s19  }
0x34: {  	[tilespmem:s17], [sflag:$0x1] =	stream.linear.gather [hbm4b:s20+s2], $0x400, $0x38;
	[tilespmem:$0x1480] =	vst v63  }
0x35: {  	_ =	swait.ge [sflag:s6], $0x400  }
0x36: {  	[sflag:s6] =	ssyncset.done $0x0  }
0x37: {  	[sflag:s6] =	ssyncadd.s32 $0xFFFFFC00  }
0x38: {  	_ =	swait.ge [sflag:s6], $0x400  }
0x39: {  	[sflag:s6] =	ssyncset.done $0x0  }
0x3a: {  	s21 =	sshll.u32 s7, $0x9;
	[sflag:s6] =	ssyncadd.s32 $0xFFFFFC00  }
0x3b: {  	s10 =	sor.u32 $0x80, s21;
	_ =	swait.ge [sflag:s6], $0x400  }
0x3c: {  	v1 =	vmov s10;
	[sflag:s6] =	ssyncset.done $0x0  }
0x3d: {  	[sflag:s6] =	ssyncadd.s32 $0xFFFFFC00  }
0x3e: {  	_ =	swait.ge [sflag:s6], $0x400  }
0x3f: {  	[sflag:s6] =	ssyncset.done $0x0  }
0x40: {  	s22 =	sand.u32 $0x70, s13;
	[sflag:s6] =	ssyncadd.s32 $0xFFFFFC00  }
0x41: {  	v7 =	vld.idx.msk [tilespmem:v1+s22+$0x0 ss:$0x1], $0xffff  }
0x42: {  	s23 =	sand.u32 $0xF, s13  }
0x43: {  	v8 =	vmov s23  }
0x44: {  	v2 =	vimm.s32 $0x0;
	vm4 =	veq.s32 v8, v0  }
0x45: {  	v8 =	vsel vm4, $0x3F800000, v2  }
0x46: {  	v7 =	vmul.f32 v8, v7;
	_ =	sdelay $0x1  }
0x47: {  	(xrf2) =	vadd.scan.msk.f32 $0xffff, v7;
	_ =	sdelay $0x9  }
0x48: {  	v4 =	vbroadcast v58, $0xF;
	v7, _, _ =	vpop (xrf2)  }
0x49: {  	v7 =	vbroadcast v7, $0xF  }
0x4a: {  	[tilespmem:$0x1280] =	vst v4  }
0x4b: {  	s24 =	sand.u32 $0x70, s11;
	[tilespmem:$0x1080] =	vst v7  }
0x4c: {  	v4 =	vld.idx.msk [tilespmem:v1+s24+$0x480 ss:$0x1], $0xffff  }
0x4d: {  	s25 =	sand.u32 $0xF, s11  }
0x4e: {  	v59 =	vmov s25  }
0x4f: {  	vm4 =	veq.s32 v59, v0  }
0x50: {  	v7 =	vsel vm4, $0x3F800000, v2  }
0x51: {  	v4 =	vmul.f32 v7, v4;
	_ =	sdelay $0x1  }
0x52: {  	(xrf2) =	vadd.scan.msk.f32 $0xffff, v4;
	_ =	sdelay $0x9  }
0x53: {  	v3 =	vbroadcast v3, $0xF;
	v4, _, _ =	vpop (xrf2)  }
0x54: {  	v4 =	vbroadcast v4, $0xF  }
0x55: {  	[tilespmem:$0x1300] =	vst v3  }
0x56: {  	s26 =	sand.u32 $0x70, s31;
	[tilespmem:$0x1100] =	vst v4  }
0x57: {  	v3 =	vld.idx.msk [tilespmem:v1+s26+$0x900 ss:$0x1], $0xffff  }
0x58: {  	s9 =	sand.u32 $0xF, s31  }
0x59: {  	v60 =	vmov s9  }
0x5a: {  	vm4 =	veq.s32 v60, v0  }
0x5b: {  	v4 =	vsel vm4, $0x3F800000, v2  }
0x5c: {  	v3 =	vmul.f32 v4, v3;
	_ =	sdelay $0x1  }
0x5d: {  	(xrf2) =	vadd.scan.msk.f32 $0xffff, v3;
	_ =	sdelay $0x9  }
0x5e: {  	v3 =	vbroadcast v6, $0xF;
	v61, _, _ =	vpop (xrf2)  }
0x5f: {  	v4 =	vbroadcast v61, $0xF  }
0x60: {  	[tilespmem:$0x1380] =	vst v3  }
0x61: {  	s28 =	sand.u32 $0x70, s30;
	[tilespmem:$0x1180] =	vst v4  }
0x62: {  	v3 =	vld.idx.msk [tilespmem:v1+s28+$0xD80 ss:$0x1], $0xffff  }
0x63: {  	s8 =	sand.u32 $0xF, s30  }
0x64: {  	v62 =	vmov s8  }
0x65: {  	vm4 =	veq.s32 v62, v0  }
0x66: {  	v4 =	vsel vm4, $0x3F800000, v2  }
0x67: {  	v3 =	vmul.f32 v4, v3;
	_ =	sdelay $0x1  }
0x68: {  	(xrf2) =	vadd.scan.msk.f32 $0xffff, v3;
	_ =	sdelay $0x7  }
0x69: {  	s7 =	ssub.s32 $0x2, s7  }
0x6a: {  	s31 =	sshrl.u32 s7, $0x1  }
0x6b: {  	s7 =	ssub.s32 s7, s31;
	v3 =	vbroadcast v5, $0xF;
	v63, _, _ =	vpop (xrf2)  }
0x6c: {  	s7 =	smax.u32 s7, $0x1;
	v4 =	vbroadcast v63, $0xF  }
0x6d: {  	p0 =	sne.s32 s7, $0x1;
	s29 =	rddreg [dreg:$0x9];
	[tilespmem:$0x1400] =	vst v3  }
.Ltmp0:
0x6e: {  	s30 =	rddreg [dreg:$0x8];
	[tilespmem:$0x1200] =	vst v4;
	(pc) =	sbr.rel @!p0 .LBB2_2-.Ltmp0, $4  }
0x6f: {  	[hbm4b:s30+s2] =	stream.linear.scatter [tilespmem:s29], [sflag:$0x2], $0x200, $0x38;
	[tilespmem:$0x1480] =	vst v63  }
0x70: {  	_ =	swait.ge [sflag:s3], $0x200  }
0x71: {  	[sflag:s3] =	ssyncset.done $0x0;
	s8 =	rddreg [dreg:$0xa]  }
0x72: {  	s7 =	sadd.s32 $0xFFFFFFFF, s7;
	s9 =	rddreg [dreg:$0xb];
	[sflag:s3] =	ssyncadd.s32 $0xFFFFFE00  }
.LBB2_1:
0x73: {  	[hbm4b:s8+s2] =	stream.linear.scatter [tilespmem:s9], [sflag:$0x2], $0x200, $0x38;
	[tilespmem:$0x1480] =	vst v63  }
0x74: {  	_ =	swait.ge [sflag:s3], $0x200  }
0x75: {  	[sflag:s3] =	ssyncset.done $0x0  }
0x76: {  	s26 =	rddreg [dreg:$0x3];
	[sflag:s3] =	ssyncadd.s32 $0xFFFFFE00  }
0x77: {  	[tilespmem:s2], [sflag:$0x2] =	stream.linear.gather [hbm4b:s26+s2], $0x10, $0x38;
	[tilespmem:$0x1480] =	vst v63  }
0x78: {  	_ =	swait.ge [sflag:s3], $0x10  }
0x79: {  	[sflag:s3] =	ssyncset.done $0x0  }
0x7a: {  	[sflag:s3] =	ssyncadd.s32 $0xFFFFFFF0  }
0x7b: {  	v3 =	vld [tilespmem:$0x0];
	_ =	sdelay $0x4  }
0x7c: {  	v5 =	vnsel vm0, $0x0, v3  }
0x7d: {  	v4 =	vnsel vm1, $0x0, v3;
	(xrf0) =	vadd.scan.msk.s32 $0xffff, v5  }
0x7e: {  	v6 =	vnsel vm2, $0x0, v3;
	(xrf0) =	vadd.scan.msk.s32 $0xffff, v4  }
0x7f: {  	v3 =	vnsel vm3, $0x0, v3;
	(xrf0) =	vadd.scan.msk.s32 $0xffff, v6  }
0x80: {  	(xrf0) =	vadd.scan.msk.s32 $0xffff, v3;
	_ =	sdelay $0x2  }
0x81: {  	v5, _, _ =	vpop (xrf0)  }
0x82: {  	v56, _, _ =	vpop (xrf0);
	(v2sf) =	vpush v5, $0xF  }
0x83: {  	(v2sf) =	vpush v56, $0xF;
	v3, _, _ =	vpop (xrf0)  }
0x84: {  	v57, _, _ =	vpop (xrf0);
	(v2sf) =	vpush v3, $0xF  }
0x85: {  	(v2sf) =	vpush v57, $0xF;
	_ =	sdelay $0xb  }
0x86: {  	s14 =	rddreg [dreg:$0x5];
	s10 =	spop (v2sf)  }
0x87: {  	s15 =	rddreg [dreg:$0x4];
	s28 =	sshll.u32 s10, $0x3;
	s11 =	spop (v2sf)  }
0x88: {  	s29 =	sshll.u32 s11, $0x3;
	s16 =	sand.u32 $0x7FFFFC00, s28;
	s30 =	spop (v2sf)  }
0x89: {  	s17 =	sand.u32 $0x7FFFFC00, s29;
	s16 =	sadd.s32 s4, s16;
	s31 =	spop (v2sf)  }
0x8a: {  	s19 =	sshll.u32 s30, $0x3;
	s17 =	sadd.s32 s4, s17;
	s18 =	sshll.u32 s31, $0x3  }
0x8b: {  	s16 =	sshrl.u32 s16, $0x3;
	s17 =	sshrl.u32 s17, $0x3;
	s18 =	sand.u32 $0x7FFFFC00, s18  }
0x8c: {  	s19 =	sand.u32 $0x7FFFFC00, s19;
	s17 =	sadd.s32 s5, s17;
	s18 =	sadd.s32 s4, s18  }
0x8d: {  	[tilespmem:s15], [sflag:$0x1] =	stream.linear.gather [hbm4b:s17+s2], $0x400, $0x38;
	[tilespmem:$0x1480] =	vst v63  }
0x8e: {  	s21 =	sadd.s32 s4, s19;
	s17 =	sadd.s32 s5, s16;
	s20 =	sshrl.u32 s18, $0x3  }
0x8f: {  	[tilespmem:s14], [sflag:$0x1] =	stream.linear.gather [hbm4b:s17+s2], $0x400, $0x38;
	[tilespmem:$0x1480] =	vst v63  }
0x90: {  	s13 =	rddreg [dreg:$0x6];
	s23 =	sshrl.u32 s21, $0x3;
	s22 =	sadd.s32 s5, s20  }
0x91: {  	[tilespmem:s13], [sflag:$0x1] =	stream.linear.gather [hbm4b:s22+s2], $0x400, $0x38;
	[tilespmem:$0x1480] =	vst v63  }
0x92: {  	s12 =	rddreg [dreg:$0x7];
	s25 =	sadd.s32 s5, s23  }
0x93: {  	[tilespmem:s12], [sflag:$0x1] =	stream.linear.gather [hbm4b:s25+s2], $0x400, $0x38;
	[tilespmem:$0x1480] =	vst v63  }
0x94: {  	_ =	swait.ge [sflag:s6], $0x400  }
0x95: {  	[sflag:s6] =	ssyncset.done $0x0  }
0x96: {  	[sflag:s6] =	ssyncadd.s32 $0xFFFFFC00  }
0x97: {  	_ =	swait.ge [sflag:s6], $0x400  }
0x98: {  	[sflag:s6] =	ssyncset.done $0x0  }
0x99: {  	[sflag:s6] =	ssyncadd.s32 $0xFFFFFC00  }
0x9a: {  	_ =	swait.ge [sflag:s6], $0x400  }
0x9b: {  	[sflag:s6] =	ssyncset.done $0x0  }
0x9c: {  	[sflag:s6] =	ssyncadd.s32 $0xFFFFFC00  }
0x9d: {  	_ =	swait.ge [sflag:s6], $0x400  }
0x9e: {  	[sflag:s6] =	ssyncset.done $0x0  }
0x9f: {  	s24 =	sand.u32 $0xF, s11;
	s11 =	sand.u32 $0x70, s11;
	[sflag:s6] =	ssyncadd.s32 $0xFFFFFC00  }
0xa0: {  	v60 =	vld.idx.msk [tilespmem:v1+s11+$0x0 ss:$0x1], $0xffff;
	_ =	sdelay $0x1  }
0xa1: {  	v7 =	vmov s24  }
0xa2: {  	vm7 =	veq.s32 v7, v0  }
0xa3: {  	v61 =	vsel vm7, $0x3F800000, v2  }
0xa4: {  	v7 =	vmul.f32 v61, v60;
	_ =	sdelay $0x1  }
0xa5: {  	(xrf2) =	vadd.scan.msk.f32 $0xffff, v7;
	_ =	sdelay $0x9  }
0xa6: {  	v6 =	vbroadcast v56, $0xF;
	v7, _, _ =	vpop (xrf2)  }
0xa7: {  	v7 =	vbroadcast v7, $0xF  }
0xa8: {  	[tilespmem:$0x1280] =	vst v6  }
0xa9: {  	s26 =	sand.u32 $0xF, s10;
	s10 =	sand.u32 $0x70, s10;
	[tilespmem:$0x1080] =	vst v7  }
0xaa: {  	v6 =	vld.idx.msk [tilespmem:v1+s10+$0x480 ss:$0x1], $0xffff;
	_ =	sdelay $0x1  }
0xab: {  	v58 =	vmov s26  }
0xac: {  	v5 =	vbroadcast v5, $0xF;
	vm6 =	veq.s32 v58, v0  }
0xad: {  	v62 =	vsel vm6, $0x3F800000, v2  }
0xae: {  	[tilespmem:$0x1300] =	vst v5;
	v5 =	vmul.f32 v62, v6;
	_ =	sdelay $0x1  }
0xaf: {  	(xrf2) =	vadd.scan.msk.f32 $0xffff, v5;
	_ =	sdelay $0x9  }
0xb0: {  	v5, _, _ =	vpop (xrf2)  }
0xb1: {  	v5 =	vbroadcast v5, $0xF;
	_ =	sdelay $0x1  }
0xb2: {  	s9 =	sand.u32 $0x70, s31;
	[tilespmem:$0x1100] =	vst v5  }
0xb3: {  	v5 =	vld.idx.msk [tilespmem:v1+s9+$0x900 ss:$0x1], $0xffff  }
0xb4: {  	s28 =	sand.u32 $0xF, s31  }
0xb5: {  	v8 =	vmov s28  }
0xb6: {  	v4 =	vbroadcast v57, $0xF;
	vm5 =	veq.s32 v8, v0  }
0xb7: {  	v63 =	vsel vm5, $0x3F800000, v2  }
0xb8: {  	[tilespmem:$0x1380] =	vst v4;
	v4 =	vmul.f32 v63, v5;
	_ =	sdelay $0x1  }
0xb9: {  	(xrf2) =	vadd.scan.msk.f32 $0xffff, v4;
	_ =	sdelay $0x9  }
0xba: {  	v4, _, _ =	vpop (xrf2)  }
0xbb: {  	v4 =	vbroadcast v4, $0xF;
	_ =	sdelay $0x1  }
0xbc: {  	s8 =	sand.u32 $0x70, s30;
	[tilespmem:$0x1180] =	vst v4  }
0xbd: {  	v4 =	vld.idx.msk [tilespmem:v1+s8+$0xD80 ss:$0x1], $0xffff  }
0xbe: {  	s29 =	sand.u32 $0xF, s30  }
0xbf: {  	v3 =	vbroadcast v3, $0xF;
	v59 =	vmov s29  }
0xc0: {  	vm4 =	veq.s32 v59, v0  }
0xc1: {  	[tilespmem:$0x1400] =	vst v3;
	v3 =	vsel vm4, $0x3F800000, v2  }
0xc2: {  	v3 =	vmul.f32 v3, v4;
	_ =	sdelay $0x1  }
0xc3: {  	(xrf2) =	vadd.scan.msk.f32 $0xffff, v3;
	_ =	sdelay $0x9  }
0xc4: {  	v3, _, _ =	vpop (xrf2)  }
0xc5: {  	v3 =	vbroadcast v3, $0xF  }
0xc6: {  	p0 =	sne.s32 s7, $0x1;
	s30 =	rddreg [dreg:$0x9]  }
.Ltmp1:
0xc7: {  	s31 =	rddreg [dreg:$0x8];
	[tilespmem:$0x1200] =	vst v3;
	(pc) =	sbr.rel @p0 .LBB2_1-.Ltmp1, $4  }
0xc8: {  	[hbm4b:s31+s2] =	stream.linear.scatter [tilespmem:s30], [sflag:$0x2], $0x200, $0x38;
	[tilespmem:$0x1480] =	vst v63  }
0xc9: {  	_ =	swait.ge [sflag:s3], $0x200  }
0xca: {  	[sflag:s3] =	ssyncset.done $0x0;
	s8 =	rddreg [dreg:$0xa]  }
0xcb: {  	s7 =	sadd.s32 $0xFFFFFFFF, s7;
	s9 =	rddreg [dreg:$0xb];
	[sflag:s3] =	ssyncadd.s32 $0xFFFFFE00  }
.LBB2_2:
0xcc: {  	[hbm4b:s8+s2] =	stream.linear.scatter [tilespmem:s9], [sflag:$0x2], $0x200, $0x38;
	[tilespmem:$0x1480] =	vst v63  }
0xcd: {  	_ =	swait.ge [sflag:s3], $0x200  }
0xce: {  	[sflag:s3] =	ssyncset.done $0x0  }
0xcf: {  	[sflag:s3] =	ssyncadd.s32 $0xFFFFFE00  }
0xd0: {  	_ =	sfence.sel $0x180000  }
0xd1: {  	[bflag:$0x0] =	sbarrier.arrive $0xFFFF  }
0xd2: {  	p0 =	sne.s32 s1, $0x0;
	_ =	strace $0x90000047  }
0xd3: {  	s0 =	sadd.s32 @!p0 $0x100000, s0;
	[bflag:$0x2] =	sbarrier.arrive $0xFFFF  }
0xd4: {  	[sflag:s0] =	ssyncadd.tile.s32 @!p0 $0x1;
	_ =	shalt  }
.Lfunc_end2:
_tile_overlayer_lowered:
.L_overlay_start_2:
0xd5: {  	(tag) =	ssettag $0x2  }
0xd6: {  	s0 =	rddreg [dreg:$0x0];
	s2 =	stileid.u32  }
0xd7: {  	s1 =	rddreg [dreg:$0x1];
	p0 =	sne.s32 s2, $0x0  }
0xd8: {  	s3 =	rddreg [dreg:$0x2];
	[bflag:$0x3] =	sbarrier.arrive $0xFFFF;
	s2 =	simm.s32 @!p0 $0x1C02  }
0xd9: {  	[timem:s3], [sflag:s2] =	dma.local @!p0 [hbm:s0], s1  }
0xda: {  	s0 =	simm.s32 @!p0 $0x2  }
0xdb: {  	_ =	swait.ge @!p0 [sflag:s0], s1  }
0xdc: {  	s1 =	ssub.s32 @!p0 $0x0, s1;
	[sflag:s0] =	ssyncset.done @!p0 $0x0  }
0xdd: {  	[sflag:s0] =	ssyncadd.s32 @!p0 s1  }
0xde: {  	[bflag:$0x3] =	sbarrier.arrive $0xFFFF  }
0xdf: {  	_ =	shalt  }

</sc_bundles>
